<compile_context>
chip_gen: v7x
topology: tpu7x:2x2x1
jax: 0.10.2.dev20260603
libtpu: 0.0.44.dev20260713+nightly
codegen_flags: <defaults>
</compile_context>

<pallas_src>
import functools

import jax
import jax.numpy as jnp
from jax import lax
from jax.experimental import pallas as pl
from jax.experimental.pallas import tpu as pltpu, tpu_sc as plsc

N_NODES = 100000
N_EDGES = 1600000
NP = 100352
EPAD = 1638400
EROWS = EPAD // 8
NROWS = NP // 8
EB = 1024
NBP = 256
NB = 2048
F = 16
NW = 32
DUMP = 100000

GPW = EPAD // NW
GCB = 1600
SCB = 128
SOC = 3200
EPW = EPAD // 16
HALF = NP // 2
NDUMP = 128
AROWS = HALF + NDUMP
SROWS = AROWS // 16
ZR = 393
OROWS = HALF // 16


def _pad2(a, rows, cols):
    r, c = a.shape
    return jnp.pad(a, ((0, rows - r), (0, cols - c)))


def _pool_weights(wx, bx, we, be, pool, e_width=F):
    ox, ix = wx.shape
    oe, ie = we.shape
    C = ox + oe
    wcat_x = jnp.concatenate([wx.T, jnp.zeros((ix, oe), wx.dtype)], axis=1)
    wcat_e = jnp.concatenate([jnp.zeros((ie, ox), we.dtype), we.T], axis=1)
    bcat = jnp.concatenate([bx, be])
    eye8 = jnp.eye(8, dtype=wx.dtype)
    As, Bs, cs = [], [], []
    for k in range(3):
        if pool:
            cols = jnp.array([3 * t + k for t in range(C // 3)])
            Ak, Bk, ck = wcat_x[:, cols], wcat_e[:, cols], bcat[cols]
        else:
            Ak, Bk, ck = wcat_x, wcat_e, bcat
        As.append(jnp.kron(eye8, _pad2(Ak, F, F)))
        Bs.append(jnp.kron(eye8, _pad2(Bk, e_width, F)))
        cs.append(jnp.tile(jnp.pad(ck, (0, F - ck.shape[0])), 8))
    return (jnp.stack(As), jnp.stack(Bs), jnp.stack(cs))



_SC_PARAMS = pltpu.CompilerParams(use_tc_tiling_on_sc=False)


@functools.cache
def _sc_gather_kernel():
    mesh = plsc.VectorSubcoreMesh(core_axis_name="c", subcore_axis_name="s")

    @functools.partial(
        pl.kernel,
        out_type=jax.ShapeDtypeStruct((EPAD, F), jnp.float32),
        mesh=mesh,
        scratch_types=[
            pltpu.VMEM((GCB,), jnp.int32),
            pltpu.VMEM((GCB,), jnp.int32),
            pltpu.VMEM((GCB,), jnp.int32),
            pltpu.VMEM((GCB,), jnp.int32),
            pltpu.VMEM((GCB, F), jnp.float32),
            pltpu.VMEM((GCB, F), jnp.float32),
            pltpu.VMEM((GCB, F), jnp.float32),
            pltpu.VMEM((GCB, F), jnp.float32),
            pltpu.SemaphoreType.DMA,
            pltpu.SemaphoreType.DMA,
            pltpu.SemaphoreType.DMA,
            pltpu.SemaphoreType.DMA,
        ],
        compiler_params=_SC_PARAMS,
    )
    def k(tab, idx_hbm, out, is0, is1, id0, id1, rs0, rs1, rd0, rd1,
          sg0, sg1, so0, so1):
        wid = lax.axis_index("s") * 2 + lax.axis_index("c")
        base = wid * GPW
        nch = GPW // GCB
        isb, idb = (is0, is1), (id0, id1)
        rs, rd = (rs0, rs1), (rd0, rd1)
        sgs, sos = (sg0, sg1), (so0, so1)

        pltpu.sync_copy(idx_hbm.at[pl.ds(base, GCB)], is0)
        pltpu.sync_copy(idx_hbm.at[pl.ds(EPAD + base, GCB)], id0)
        pltpu.async_copy(tab.at[is0], rs0, sg0)
        pltpu.async_copy(tab.at[id0], rd0, sg0)

        def body(cc, carry):
            for b in range(2):
                c = cc * 2 + b
                off = base + c * GCB
                nb = 1 - b
                pltpu.make_async_copy(tab.at[isb[b]], rs[b], sgs[b]).wait()
                pltpu.make_async_copy(tab.at[idb[b]], rd[b], sgs[b]).wait()

                @pl.when(c + 1 < nch)
                def _():
                    noff = off + GCB
                    pltpu.sync_copy(idx_hbm.at[pl.ds(noff, GCB)], isb[nb])
                    pltpu.sync_copy(idx_hbm.at[pl.ds(EPAD + noff, GCB)],
                                    idb[nb])

                    @pl.when(c >= 1)
                    def _():
                        pltpu.make_async_copy(
                            rs[nb], out.at[pl.ds(off - GCB, GCB)],
                            sos[nb]).wait()

                    pltpu.async_copy(tab.at[isb[nb]], rs[nb], sgs[nb])
                    pltpu.async_copy(tab.at[idb[nb]], rd[nb], sgs[nb])

                def addb(i, carry2):
                    for u in range(8):
                        r = i * 8 + u
                        rs[b][r, :] = rs[b][r, :] + rd[b][r, :]
                    return carry2

                lax.fori_loop(0, GCB // 8, addb, 0)
                pltpu.async_copy(rs[b], out.at[pl.ds(off, GCB)], sos[b])
            return carry

        lax.fori_loop(0, nch // 2, body, 0)
        pltpu.make_async_copy(rs[1], out.at[pl.ds(base + (nch - 1) * GCB,
                                                  GCB)], sos[1]).wait()

    return k


def _sc_gather(table, idx):
    return _sc_gather_kernel()(table, idx)


@functools.cache
def _sc_scatter_kernel():
    mesh = plsc.VectorSubcoreMesh(core_axis_name="c", subcore_axis_name="s")
    ipc = SOC // SCB

    @functools.partial(
        pl.kernel,
        out_type=jax.ShapeDtypeStruct((NP, F), jnp.float32),
        mesh=mesh,
        scratch_types=[
            pltpu.VMEM((ipc, SCB), jnp.int32),
            pltpu.VMEM((SCB,), jnp.int32),
            pltpu.VMEM((SOC, F), jnp.float32),
            pltpu.VMEM((ZR, F), jnp.float32),
            pltpu.VMEM_SHARED((AROWS, F), jnp.float32),
            pltpu.SemaphoreType.DMA,
        ],
        compiler_params=_SC_PARAMS,
    )
    def k(ea2, idx_hbm, out, idx_v, idxt_v, rows_v, zb_v, acc_s, sem):
        cid = lax.axis_index("c")
        sid = lax.axis_index("s")

        zval = lax.iota(jnp.int32, 16).astype(jnp.float32) * 0.0

        def zb(i, carry):
            zb_v[i, :] = zval
            return carry

        lax.fori_loop(0, ZR, zb, 0)

        def zs(i, carry):
            pltpu.sync_copy(zb_v, acc_s.at[pl.ds(sid * SROWS + i * ZR, ZR)])
            return carry

        lax.fori_loop(0, SROWS // ZR, zs, 0)
        plsc.subcore_barrier()

        base = sid * EPW
        lo = cid * HALF

        def outer(j, carry):
            off = base + j * SOC
            pltpu.sync_copy(ea2.at[pl.ds(off, SOC)], rows_v)
            pltpu.sync_copy(idx_hbm.at[pl.ds(off // SCB, ipc)], idx_v)

            def inner(i, c2):
                for v in range(SCB // 16):
                    xv = idx_v.at[i][pl.ds(v * 16, 16)]
                    rel = xv - lo
                    ok = (rel >= 0) & (rel < HALF)
                    dump = HALF + (xv & (NDUMP - 1))
                    idxt_v[pl.ds(v * 16, 16)] = jnp.where(ok, rel, dump)
                pltpu.sync_copy(rows_v.at[pl.ds(i * SCB, SCB)],
                                acc_s.at[idxt_v], add=True)
                return c2

            lax.fori_loop(0, ipc, inner, 0)
            return carry

        lax.fori_loop(0, EPW // SOC, outer, 0)
        plsc.subcore_barrier()
        pltpu.sync_copy(acc_s.at[pl.ds(sid * OROWS, OROWS)],
                        out.at[pl.ds(cid * HALF + sid * OROWS, OROWS)])

    return k


def _sc_scatter(ea, idx2d):
    return _sc_scatter_kernel()(ea, idx2d)



def _edge_body(s_ref, ea_ref, A_ref, B_ref, c_ref, o_ref):
    s = s_ref[...]
    ea = ea_ref[...]
    z = None
    for k in range(3):
        zk = (jnp.dot(s, A_ref[k], preferred_element_type=jnp.float32)
              + jnp.dot(ea, B_ref[k], preferred_element_type=jnp.float32)
              + c_ref[k][None, :])
        z = zk if z is None else jnp.maximum(z, zk)
    o_ref[...] = jnp.maximum(z, 0.0)


def _node_body(s_ref, a0_ref, A_ref, B_ref, c_ref, o_ref):
    s = s_ref[...]
    adj = a0_ref[...]
    z = None
    for k in range(3):
        zk = (jnp.dot(s, A_ref[k], preferred_element_type=jnp.float32)
              + jnp.dot(adj, B_ref[k], preferred_element_type=jnp.float32)
              + c_ref[k][None, :])
        z = zk if z is None else jnp.maximum(z, zk)
    o_ref[...] = jnp.maximum(z, 0.0)


def _fused_edge(gathered, ea, W):
    A, B, c = W
    nb = EROWS // EB
    eac = ea.shape[1]
    return pl.pallas_call(
        _edge_body,
        grid=(nb,),
        in_specs=[
            pl.BlockSpec((EB, 128), lambda i: (i, 0)),
            pl.BlockSpec((EB, eac), lambda i: (i, 0)),
            pl.BlockSpec(A.shape, lambda i: (0, 0, 0)),
            pl.BlockSpec(B.shape, lambda i: (0, 0, 0)),
            pl.BlockSpec(c.shape, lambda i: (0, 0)),
        ],
        out_specs=pl.BlockSpec((EB, 128), lambda i: (i, 0)),
        out_shape=jax.ShapeDtypeStruct((EROWS, 128), jnp.float32),
        input_output_aliases={1: 0},
    )(gathered, ea, A, B, c)


def _fused_node(xx, adj, W):
    A, B, c = W
    nb = NROWS // NBP
    return pl.pallas_call(
        _node_body,
        grid=(nb,),
        in_specs=[
            pl.BlockSpec((NBP, 128), lambda i: (i, 0)),
            pl.BlockSpec((NBP, 128), lambda i: (i, 0)),
            pl.BlockSpec(A.shape, lambda i: (0, 0, 0)),
            pl.BlockSpec(B.shape, lambda i: (0, 0, 0)),
            pl.BlockSpec(c.shape, lambda i: (0, 0)),
        ],
        out_specs=pl.BlockSpec((NBP, 128), lambda i: (i, 0)),
        out_shape=jax.ShapeDtypeStruct((NROWS, 128), jnp.float32),
    )(xx, adj, A, B, c)


def _mlp_body(a_ref, w1_ref, b1_ref, w2_ref, b2_ref, w3_ref, b3_ref,
              w4_ref, b4_ref, w5_ref, b5_ref, o_ref):
    h = jnp.maximum(jnp.dot(a_ref[...], w1_ref[...],
                            preferred_element_type=jnp.float32) + b1_ref[...], 0.0)
    h = jnp.maximum(jnp.dot(h, w2_ref[...],
                            preferred_element_type=jnp.float32) + b2_ref[...], 0.0)
    h = jnp.maximum(jnp.dot(h, w3_ref[...],
                            preferred_element_type=jnp.float32) + b3_ref[...], 0.0)
    h = jnp.maximum(jnp.dot(h, w4_ref[...],
                            preferred_element_type=jnp.float32) + b4_ref[...], 0.0)
    h = jnp.dot(h, w5_ref[...], preferred_element_type=jnp.float32) + b5_ref[...]
    o_ref[...] = jnp.where(h > 0, h, 0.2 * h)


def _mlp(act, ws):
    nb = NP // NB
    specs = [pl.BlockSpec((NB, F), lambda i: (i, 0))]
    for w in ws:
        specs.append(pl.BlockSpec(w.shape, lambda i: (0, 0)))
    return pl.pallas_call(
        _mlp_body,
        grid=(nb,),
        in_specs=specs,
        out_specs=pl.BlockSpec((NB, 8), lambda i: (i, 0)),
        out_shape=jax.ShapeDtypeStruct((NP, 8), jnp.float32),
    )(act, *ws)



def kernel(x, edge_index, edge_attr, params):
    ei = edge_index.astype(jnp.int32)
    src, dst = ei[0], ei[1]
    padlen = EPAD - N_EDGES
    spread_g = jnp.arange(padlen, dtype=jnp.int32) % N_NODES
    spread_s = N_NODES + jnp.arange(padlen, dtype=jnp.int32) % (NP - N_NODES)
    src_p = jnp.concatenate([src, spread_g])
    dst_p = jnp.concatenate([dst, spread_g])
    idx_g = jnp.concatenate([src_p, dst_p])
    idx_s = jnp.concatenate([src, spread_s]).reshape(-1, SCB)

    names = (("edge1", "node1", True), ("edge2", "node2", True),
             ("edge3", "node3", True), ("edge4", "node4", True),
             ("edge5", "node5", False))
    stk = [[] for _ in range(6)]
    for ename, nname, pool in names:
        pe, pn = params[ename], params[nname]
        for i, m in enumerate(_pool_weights(pe["fcx"]["w"], pe["fcx"]["b"],
                                            pe["fce"]["w"], pe["fce"]["b"],
                                            pool)):
            stk[i].append(m)
        for i, m in enumerate(_pool_weights(pn["fcx"]["w"], pn["fcx"]["b"],
                                            pn["fce"]["w"], pn["fce"]["b"],
                                            pool)):
            stk[3 + i].append(m)
    ws = tuple(jnp.stack(s) for s in stk)

    xx = _pad2(x, NP, F).reshape(NROWS, 128)
    sel = jnp.kron(jnp.eye(8, dtype=jnp.float32),
                   jnp.eye(1, F, dtype=jnp.float32))
    ea = jnp.pad(edge_attr.reshape(N_EDGES // 8, 8),
                 ((0, EROWS - N_EDGES // 8), (0, 0))) @ sel

    def round_body(carry, w):
        xx, ea = carry
        eA, eB, eC, nA, nB, nC = w
        g = _sc_gather(xx.reshape(NP, F), idx_g).reshape(EROWS, 128)
        ea2 = _fused_edge(g, ea, (eA, eB, eC))
        adj = _sc_scatter(ea2.reshape(EPAD, F),
                          idx_s).reshape(NROWS, 128)
        xx2 = _fused_node(xx, adj, (nA, nB, nC))
        return (xx2, ea2), None

    (xx, ea), _ = lax.scan(round_body, (xx, ea), ws)

    act = xx.reshape(NP, F)
    colsum = jnp.sum(xx, axis=0).reshape(8, F)
    padsum = jnp.sum(act[N_NODES:], axis=0)
    state = (jnp.sum(colsum, axis=0) - padsum)[:6]

    fw = [params[n]["w"] for n in ("fc1", "fc2", "fc3", "fc4", "fc5")]
    fb = [params[n]["b"] for n in ("fc1", "fc2", "fc3", "fc4", "fc5")]
    ws = (
        _pad2(fw[0][:, 6:12].T, F, 128),
        _pad2((fb[0] + state @ fw[0][:, :6].T)[None, :], 1, 128),
        _pad2(fw[1].T, 128, 256), _pad2(fb[1][None, :], 1, 256),
        _pad2(fw[2].T, 256, 128), _pad2(fb[2][None, :], 1, 128),
        _pad2(fw[3].T, 128, 128), _pad2(fb[3][None, :], 1, 128),
        _pad2(fw[4].T, 128, 8), _pad2(fb[4][None, :], 1, 8),
    )
    q = _mlp(act, ws)
    return q[:N_NODES, 0]

# --- scband reference (transcript-rebuilt; emitter-appended) ---
"""Pipeline reference for scband-dirac-34144990003905 (READ-ONLY COPY).

The authoritative reference and input builder live on the scoring server;
editing this copy changes nothing except your own understanding.
"""

import jax, jax.numpy as jnp
import numpy as np

N = 100000
E = 1600000

_ENC_SHAPES = [
    ("edge1", (10, 5), (2, 1)),
    ("node1", (18, 5), (12, 4)),
    ("edge2", (18, 10), (12, 4)),
    ("node2", (18, 10), (12, 10)),
    ("edge3", (18, 10), (12, 10)),
    ("node3", (18, 10), (12, 10)),
    ("edge4", (18, 10), (12, 10)),
    ("node4", (18, 10), (12, 10)),
    ("edge5", (3, 10), (3, 10)),
    ("node5", (3, 10), (3, 6)),
]
_FC_SHAPES = [("fc1", 48, 12), ("fc2", 152, 48), ("fc3", 100, 152), ("fc4", 25, 100), ("fc5", 1, 25)]


def _mk_linear(key, o, i):
    k1, k2 = jax.random.split(key)
    return {"w": jax.random.normal(k1, (o, i), dtype=jnp.float32) * 0.1,
            "b": jnp.zeros((o,), dtype=jnp.float32)}


def setup_inputs(seed: int = 0) -> dict:
    key = jax.random.key(seed)
    ks = jax.random.split(key, 40)
    x = jax.random.normal(ks[0], (N, 5), dtype=jnp.float32)
    edge_index = jax.random.randint(ks[1], (2, E), 0, N).astype(jnp.int64)
    edge_attr = jax.random.normal(ks[2], (E, 1), dtype=jnp.float32)
    params = {}
    i = 3
    for name, (ox, ix), (oe, ie) in _ENC_SHAPES:
        params[name] = {"fcx": _mk_linear(ks[i], ox, ix), "fce": _mk_linear(ks[i + 1], oe, ie)}
        i += 2
    for name, o, ii in _FC_SHAPES:
        params[name] = _mk_linear(ks[i], o, ii)
        i += 1
    return {"x": x, "edge_index": edge_index, "edge_attr": edge_attr, "params": params}


def _linear(p, x):
    return x @ p["w"].T + p["b"]


def _maxpool3(a):
    m, l = a.shape
    return jnp.max(a.reshape(m, l // 3, 3), axis=-1)


def _edge_centric(p, x, ei, ea):
    s = x[ei[0]] + x[ei[1]]
    return jax.nn.relu(jnp.concatenate([_linear(p["fcx"], s), _linear(p["fce"], ea)], axis=1))


def _node_centric(p, x, ei, ea, n):
    # torch: sparse_coo_tensor(edge_index, edge_attr).to_dense().sum(dim=1)
    # == sum of edge_attr grouped by source node (duplicates coalesced/added)
    adj = jax.ops.segment_sum(ea, ei[0], num_segments=n)
    return jax.nn.relu(jnp.concatenate([_linear(p["fcx"], x), _linear(p["fce"], adj)], axis=1))


def _forward(x, edge_index, edge_attr, params):
    n = x.shape[0]
    ea = _maxpool3(jax.nn.relu(_edge_centric(params["edge1"], x, edge_index, edge_attr)))
    xx = _maxpool3(jax.nn.relu(_node_centric(params["node1"], x, edge_index, ea, n)))
    ea = _maxpool3(jax.nn.relu(_edge_centric(params["edge2"], xx, edge_index, ea)))
    xx = _maxpool3(jax.nn.relu(_node_centric(params["node2"], xx, edge_index, ea, n)))
    ea = _maxpool3(jax.nn.relu(_edge_centric(params["edge3"], xx, edge_index, ea)))
    xx = _maxpool3(jax.nn.relu(_node_centric(params["node3"], xx, edge_index, ea, n)))
    ea = _maxpool3(jax.nn.relu(_edge_centric(params["edge4"], xx, edge_index, ea)))
    xx = _maxpool3(jax.nn.relu(_node_centric(params["node4"], xx, edge_index, ea, n)))
    ea = jax.nn.relu(_edge_centric(params["edge5"], xx, edge_index, ea))
    xx = jax.nn.relu(_node_centric(params["node5"], xx, edge_index, ea, n))
    action_embedding = xx
    state_embedding = jnp.sum(action_embedding, axis=0)
    state_embedding = jnp.broadcast_to(state_embedding[None, :], (n, action_embedding.shape[1]))
    q = jnp.concatenate([state_embedding, action_embedding], axis=1)
    q = jax.nn.relu(_linear(params["fc1"], q))
    q = jax.nn.relu(_linear(params["fc2"], q))
    q = jax.nn.relu(_linear(params["fc3"], q))
    q = jax.nn.relu(_linear(params["fc4"], q))
    q = jax.nn.leaky_relu(_linear(params["fc5"], q), negative_slope=0.2)
    return q.reshape(-1)


def reference(x, edge_index, edge_attr, params):
    return _forward(x, edge_index, edge_attr, params)

if __name__ == "__main__":
    import jax
    _d = setup_inputs()
    print(jax.jit(kernel)(*tuple(_d.values())))

</pallas_src>

<mosaic_0001>
#map = affine_map<(d0, d1) -> (0, 0)>
module attributes {stable_mosaic.version = 14 : i64} {
  func.func @k(%arg0: i32, %arg1: i32, %arg2: memref<1638400x16xf32, #tpu.memory_space<hbm>>, %arg3: memref<12800x128xi32, #tpu.memory_space<hbm>>, %arg4: memref<100352x16xf32, #tpu.memory_space<hbm>>, %arg5: memref<25x128xi32, #tpu.memory_space<vmem>>, %arg6: memref<128xi32, #tpu.memory_space<vmem>>, %arg7: memref<3200x16xf32, #tpu.memory_space<vmem>>, %arg8: memref<393x16xf32, #tpu.memory_space<vmem>>, %arg9: memref<50304x16xf32, #tpu.memory_space<vmem_shared>>, %arg10: memref<!tpu.dma_semaphore, #tpu.memory_space<semaphore_mem>>) attributes {dimension_semantics = [#tpu.dimension_semantics<core_parallel>, #tpu.dimension_semantics<subcore_parallel>], iteration_bounds = array<i64: 2, 16>, scalar_prefetch = 0 : i64, scratch_operands = 6 : i64, tpu.core_type = #tpu.core_type<sc_vector_subcore>, window_params = [{transform_indices = #map}, {transform_indices = #map}, {transform_indices = #map}]} {
    %iota3A = tpu.iota {dimensions = array<i32: 0>} : vector<16xi32>
    %convert_element_type3A = arith.sitofp %iota3A : vector<16xi32> to vector<16xf32>
    %mul3A = arith.constant 0.000000e+00 : f32
    %mul3A_0 = vector.broadcast %mul3A : f32 to vector<16xf32>
    %mul3A_1 = arith.mulf %convert_element_type3A, %mul3A_0 : vector<16xf32>
    %scan3A = arith.constant 0 : i32
    %scan3A_2 = arith.constant 0 : i32
    %scan3A_3 = arith.constant 393 : i32
    %scan3A_4 = arith.addi %scan3A_2, %scan3A_3 : i32
    %scan3A_5 = arith.constant 1 : i32
    scf.for %scan3A_30 = %scan3A_2 to %scan3A_4 step %scan3A_5  : i32 {
      %swap3A = arith.index_cast %scan3A_30 : i32 to index
      %swap3A_31 = arith.constant 0 : index
      %swap3A_32 = tpu.vector_load %arg8[%swap3A, %swap3A_31] {strides = array<i32>} : memref<393x16xf32, #tpu.memory_space<vmem>>, vector<1x16xf32>,
      %swap3A_33 = vector.shape_cast %swap3A_32 : vector<1x16xf32> to vector<16xf32>
      %swap3A_34 = vector.shape_cast %mul3A_1 : vector<16xf32> to vector<1x16xf32>
      tpu.vector_store %arg8[%swap3A, %swap3A_31], %swap3A_34 {strides = array<i32>} : memref<393x16xf32, #tpu.memory_space<vmem>>, vector<1x16xf32>,
    }
    %scan3A_6 = arith.constant 393 : i32
    %scan3A_7 = arith.constant 0 : i32
    %scan3A_8 = arith.constant 0 : i32
    %scan3A_9 = arith.constant 8 : i32
    %scan3A_10 = arith.addi %scan3A_8, %scan3A_9 : i32
    %scan3A_11 = arith.constant 1 : i32
    scf.for %scan3A_30 = %scan3A_8 to %scan3A_10 step %scan3A_11  : i32 {
      %mul3A_31 = arith.constant 3144 : i32
      %mul3A_32 = arith.muli %arg1, %mul3A_31 : i32
      %mul3A_33 = arith.constant 393 : i32
      %mul3A_34 = arith.muli %scan3A_30, %mul3A_33 : i32
      %add3A_35 = arith.addi %mul3A_32, %mul3A_34 : i32
      "tpu.region"() ({
        %run_scoped3A = tpu.sem_alloc : memref<!tpu.dma_semaphore, #tpu.memory_space<semaphore_mem>>
        %dma_start3A = arith.constant 0 : i32
        %dma_start3A_36 = tpu.memref_slice %arg9[%add3A_35, %dma_start3A] : memref<50304x16xf32, #tpu.memory_space<vmem_shared>> -> memref<393x16xf32, #tpu.memory_space<vmem_shared>>
        %dma_start3A_37 = arith.constant 0 : i32
        %dma_start3A_38 = tpu.memref_slice %arg9[%add3A_35, %dma_start3A_37] : memref<50304x16xf32, #tpu.memory_space<vmem_shared>> -> memref<393x16xf32, #tpu.memory_space<vmem_shared>>
        tpu.enqueue_dma source(%arg8 : memref<393x16xf32, #tpu.memory_space<vmem>>) target(%dma_start3A_38 : memref<393x16xf32, #tpu.memory_space<vmem_shared>>) target_semaphore(%run_scoped3A : memref<!tpu.dma_semaphore, #tpu.memory_space<semaphore_mem>>)
        %dma_wait3A = arith.constant 0 : i32
        %dma_wait3A_39 = tpu.memref_slice %arg9[%add3A_35, %dma_wait3A] : memref<50304x16xf32, #tpu.memory_space<vmem_shared>> -> memref<393x16xf32, #tpu.memory_space<vmem_shared>>
        %dma_wait3A_40 = arith.constant 0 : i32
        %dma_wait3A_41 = tpu.memref_slice %arg9[%add3A_35, %dma_wait3A_40] : memref<50304x16xf32, #tpu.memory_space<vmem_shared>> -> memref<393x16xf32, #tpu.memory_space<vmem_shared>>
        tpu.wait_dma2 semaphore(%run_scoped3A : memref<!tpu.dma_semaphore, #tpu.memory_space<semaphore_mem>>) src(%arg8 : memref<393x16xf32, #tpu.memory_space<vmem>>) dst(%dma_wait3A_41 : memref<393x16xf32, #tpu.memory_space<vmem_shared>>)
        tpu.yield
      }) : () -> ()
    }
    %scan3A_12 = arith.constant 8 : i32
    %barrier3A = arith.constant 0 : index
    tpu.barrier barrier_id(%barrier3A)
    %mul3A_13 = arith.constant 102400 : i32
    %mul3A_14 = arith.muli %arg1, %mul3A_13 : i32
    %mul3A_15 = arith.constant 50176 : i32
    %mul3A_16 = arith.muli %arg0, %mul3A_15 : i32
    %scan3A_17 = arith.constant 0 : i32
    %scan3A_18 = arith.constant 0 : i32
    %scan3A_19 = arith.constant 32 : i32
    %scan3A_20 = arith.addi %scan3A_18, %scan3A_19 : i32
    %scan3A_21 = arith.constant 1 : i32
    scf.for %scan3A_30 = %scan3A_18 to %scan3A_20 step %scan3A_21  : i32 {
      %mul3A_31 = arith.constant 3200 : i32
      %mul3A_32 = arith.muli %scan3A_30, %mul3A_31 : i32
      %add3A_33 = arith.addi %mul3A_14, %mul3A_32 : i32
      "tpu.region"() ({
        %run_scoped3A = tpu.sem_alloc : memref<!tpu.dma_semaphore, #tpu.memory_space<semaphore_mem>>
        %dma_start3A = arith.constant 0 : i32
        %dma_start3A_56 = tpu.memref_slice %arg2[%add3A_33, %dma_start3A] : memref<1638400x16xf32, #tpu.memory_space<hbm>> -> memref<3200x16xf32, #tpu.memory_space<hbm>>
        %dma_start3A_57 = arith.constant 0 : i32
        %dma_start3A_58 = tpu.memref_slice %arg2[%add3A_33, %dma_start3A_57] : memref<1638400x16xf32, #tpu.memory_space<hbm>> -> memref<3200x16xf32, #tpu.memory_space<hbm>>
        tpu.enqueue_dma source(%dma_start3A_58 : memref<3200x16xf32, #tpu.memory_space<hbm>>) target(%arg7 : memref<3200x16xf32, #tpu.memory_space<vmem>>) target_semaphore(%run_scoped3A : memref<!tpu.dma_semaphore, #tpu.memory_space<semaphore_mem>>)
        %dma_wait3A = arith.constant 0 : i32
        %dma_wait3A_59 = tpu.memref_slice %arg2[%add3A_33, %dma_wait3A] : memref<1638400x16xf32, #tpu.memory_space<hbm>> -> memref<3200x16xf32, #tpu.memory_space<hbm>>
        %dma_wait3A_60 = arith.constant 0 : i32
        %dma_wait3A_61 = tpu.memref_slice %arg2[%add3A_33, %dma_wait3A_60] : memref<1638400x16xf32, #tpu.memory_space<hbm>> -> memref<3200x16xf32, #tpu.memory_space<hbm>>
        tpu.wait_dma2 semaphore(%run_scoped3A : memref<!tpu.dma_semaphore, #tpu.memory_space<semaphore_mem>>) src(%dma_wait3A_61 : memref<3200x16xf32, #tpu.memory_space<hbm>>) dst(%arg7 : memref<3200x16xf32, #tpu.memory_space<vmem>>)
        tpu.yield
      }) : () -> ()
      %jit3A = arith.constant 128 : i32
      %div3A = arith.divsi %add3A_33, %jit3A : i32
      %sign3A = arith.constant 0 : i32
      %sign3A_34 = arith.cmpi sgt, %add3A_33, %sign3A : i32
      %sign3A_35 = arith.extui %sign3A_34 : i1 to i32
      %sign3A_36 = arith.constant 0 : i32
      %sign3A_37 = arith.cmpi slt, %add3A_33, %sign3A_36 : i32
      %sign3A_38 = arith.extui %sign3A_37 : i1 to i32
      %sign3A_39 = arith.subi %sign3A_35, %sign3A_38 : i32
      %sign3A_40 = arith.constant 0 : i32
      %sign3A_41 = arith.cmpi sgt, %jit3A, %sign3A_40 : i32
      %sign3A_42 = arith.extui %sign3A_41 : i1 to i32
      %sign3A_43 = arith.constant 0 : i32
      %sign3A_44 = arith.cmpi slt, %jit3A, %sign3A_43 : i32
      %sign3A_45 = arith.extui %sign3A_44 : i1 to i32
      %sign3A_46 = arith.subi %sign3A_42, %sign3A_45 : i32
      %ne3A = arith.cmpi ne, %sign3A_39, %sign3A_46 : i32
      %rem3A = arith.remsi %add3A_33, %jit3A : i32
      %ne3A_47 = arith.constant 0 : i32
      %ne3A_48 = arith.cmpi ne, %rem3A, %ne3A_47 : i32
      %and3A = arith.andi %ne3A, %ne3A_48 : i1
      %sub3A = arith.constant 1 : i32
      %sub3A_49 = arith.subi %div3A, %sub3A : i32
      %select_n3A = arith.select %and3A, %sub3A_49, %div3A : i32
      "tpu.region"() ({
        %run_scoped3A = tpu.sem_alloc : memref<!tpu.dma_semaphore, #tpu.memory_space<semaphore_mem>>
        %dma_start3A = arith.constant 0 : i32
        %dma_start3A_56 = tpu.memref_slice %arg3[%select_n3A, %dma_start3A] : memref<12800x128xi32, #tpu.memory_space<hbm>> -> memref<25x128xi32, #tpu.memory_space<hbm>>
        %dma_start3A_57 = arith.constant 0 : i32
        %dma_start3A_58 = tpu.memref_slice %arg3[%select_n3A, %dma_start3A_57] : memref<12800x128xi32, #tpu.memory_space<hbm>> -> memref<25x128xi32, #tpu.memory_space<hbm>>
        tpu.enqueue_dma source(%dma_start3A_58 : memref<25x128xi32, #tpu.memory_space<hbm>>) target(%arg5 : memref<25x128xi32, #tpu.memory_space<vmem>>) target_semaphore(%run_scoped3A : memref<!tpu.dma_semaphore, #tpu.memory_space<semaphore_mem>>)
        %dma_wait3A = arith.constant 0 : i32
        %dma_wait3A_59 = tpu.memref_slice %arg3[%select_n3A, %dma_wait3A] : memref<12800x128xi32, #tpu.memory_space<hbm>> -> memref<25x128xi32, #tpu.memory_space<hbm>>
        %dma_wait3A_60 = arith.constant 0 : i32
        %dma_wait3A_61 = tpu.memref_slice %arg3[%select_n3A, %dma_wait3A_60] : memref<12800x128xi32, #tpu.memory_space<hbm>> -> memref<25x128xi32, #tpu.memory_space<hbm>>
        tpu.wait_dma2 semaphore(%run_scoped3A : memref<!tpu.dma_semaphore, #tpu.memory_space<semaphore_mem>>) src(%dma_wait3A_61 : memref<25x128xi32, #tpu.memory_space<hbm>>) dst(%arg5 : memref<25x128xi32, #tpu.memory_space<vmem>>)
        tpu.yield
      }) : () -> ()
      %scan3A_50 = arith.constant 0 : i32
      %scan3A_51 = arith.constant 0 : i32
      %scan3A_52 = arith.constant 25 : i32
      %scan3A_53 = arith.addi %scan3A_51, %scan3A_52 : i32
      %scan3A_54 = arith.constant 1 : i32
      scf.for %scan3A_56 = %scan3A_51 to %scan3A_53 step %scan3A_54  : i32 {
        %get3A = arith.constant 0 : i32
        %get3A_57 = tpu.memref_slice %arg5[%scan3A_56, %get3A] : memref<25x128xi32, #tpu.memory_space<vmem>> -> memref<1x128xi32, #tpu.memory_space<vmem>>
        %get3A_58 = tpu.memref_squeeze %get3A_57 : memref<1x128xi32, #tpu.memory_space<vmem>> -> memref<128xi32, #tpu.memory_space<vmem>>
        %get3A_59 = arith.constant 0 : index
        %get3A_60 = tpu.vector_load %get3A_58[%get3A_59] {strides = array<i32>} : memref<128xi32, #tpu.memory_space<vmem>>, vector<16xi32>,
        %get3A_61 = vector.shape_cast %get3A_60 : vector<16xi32> to vector<16xi32>
        %sub3A_62 = vector.broadcast %mul3A_16 : i32 to vector<16xi32>
        %sub3A_63 = arith.subi %get3A_61, %sub3A_62 : vector<16xi32>
        %ge3A = arith.constant 0 : i32
        %ge3A_64 = vector.broadcast %ge3A : i32 to vector<16xi32>
        %ge3A_65 = arith.cmpi sge, %sub3A_63, %ge3A_64 : vector<16xi32>
        %lt3A = arith.constant 50176 : i32
        %lt3A_66 = vector.broadcast %lt3A : i32 to vector<16xi32>
        %lt3A_67 = arith.cmpi slt, %sub3A_63, %lt3A_66 : vector<16xi32>
        %and3A_68 = arith.andi %ge3A_65, %lt3A_67 : vector<16xi1>
        %and3A_69 = arith.constant 127 : i32
        %and3A_70 = vector.broadcast %and3A_69 : i32 to vector<16xi32>
        %and3A_71 = arith.andi %get3A_61, %and3A_70 : vector<16xi32>
        %add3A_72 = arith.constant 50176 : i32
        %add3A_73 = vector.broadcast %add3A_72 : i32 to vector<16xi32>
        %add3A_74 = arith.addi %add3A_73, %and3A_71 : vector<16xi32>
        %select_n3A_75 = arith.select %and3A_68, %sub3A_63, %add3A_74 : vector<16xi1>, vector<16xi32>
        %swap3A = arith.constant 0 : index
        %swap3A_76 = tpu.vector_load %arg6[%swap3A] {strides = array<i32>} : memref<128xi32, #tpu.memory_space<vmem>>, vector<16xi32>,
        %swap3A_77 = vector.shape_cast %swap3A_76 : vector<16xi32> to vector<16xi32>
        %swap3A_78 = vector.shape_cast %select_n3A_75 : vector<16xi32> to vector<16xi32>
        tpu.vector_store %arg6[%swap3A], %swap3A_78 {strides = array<i32>} : memref<128xi32, #tpu.memory_space<vmem>>, vector<16xi32>,
        %get3A_79 = arith.constant 0 : i32
        %get3A_80 = tpu.memref_slice %arg5[%scan3A_56, %get3A_79] : memref<25x128xi32, #tpu.memory_space<vmem>> -> memref<1x128xi32, #tpu.memory_space<vmem>>
        %get3A_81 = tpu.memref_squeeze %get3A_80 : memref<1x128xi32, #tpu.memory_space<vmem>> -> memref<128xi32, #tpu.memory_space<vmem>>
        %get3A_82 = arith.constant 16 : index
        %get3A_83 = tpu.vector_load %get3A_81[%get3A_82] {strides = array<i32>} : memref<128xi32, #tpu.memory_space<vmem>>, vector<16xi32>,
        %get3A_84 = vector.shape_cast %get3A_83 : vector<16xi32> to vector<16xi32>
        %sub3A_85 = vector.broadcast %mul3A_16 : i32 to vector<16xi32>
        %sub3A_86 = arith.subi %get3A_84, %sub3A_85 : vector<16xi32>
        %ge3A_87 = arith.constant 0 : i32
        %ge3A_88 = vector.broadcast %ge3A_87 : i32 to vector<16xi32>
        %ge3A_89 = arith.cmpi sge, %sub3A_86, %ge3A_88 : vector<16xi32>
        %lt3A_90 = arith.constant 50176 : i32
        %lt3A_91 = vector.broadcast %lt3A_90 : i32 to vector<16xi32>
        %lt3A_92 = arith.cmpi slt, %sub3A_86, %lt3A_91 : vector<16xi32>
        %and3A_93 = arith.andi %ge3A_89, %lt3A_92 : vector<16xi1>
        %and3A_94 = arith.constant 127 : i32
        %and3A_95 = vector.broadcast %and3A_94 : i32 to vector<16xi32>
        %and3A_96 = arith.andi %get3A_84, %and3A_95 : vector<16xi32>
        %add3A_97 = arith.constant 50176 : i32
        %add3A_98 = vector.broadcast %add3A_97 : i32 to vector<16xi32>
        %add3A_99 = arith.addi %add3A_98, %and3A_96 : vector<16xi32>
        %select_n3A_100 = arith.select %and3A_93, %sub3A_86, %add3A_99 : vector<16xi1>, vector<16xi32>
        %swap3A_101 = arith.constant 16 : index
        %swap3A_102 = tpu.vector_load %arg6[%swap3A_101] {strides = array<i32>} : memref<128xi32, #tpu.memory_space<vmem>>, vector<16xi32>,
        %swap3A_103 = vector.shape_cast %swap3A_102 : vector<16xi32> to vector<16xi32>
        %swap3A_104 = vector.shape_cast %select_n3A_100 : vector<16xi32> to vector<16xi32>
        tpu.vector_store %arg6[%swap3A_101], %swap3A_104 {strides = array<i32>} : memref<128xi32, #tpu.memory_space<vmem>>, vector<16xi32>,
        %get3A_105 = arith.constant 0 : i32
        %get3A_106 = tpu.memref_slice %arg5[%scan3A_56, %get3A_105] : memref<25x128xi32, #tpu.memory_space<vmem>> -> memref<1x128xi32, #tpu.memory_space<vmem>>
        %get3A_107 = tpu.memref_squeeze %get3A_106 : memref<1x128xi32, #tpu.memory_space<vmem>> -> memref<128xi32, #tpu.memory_space<vmem>>
        %get3A_108 = arith.constant 32 : index
        %get3A_109 = tpu.vector_load %get3A_107[%get3A_108] {strides = array<i32>} : memref<128xi32, #tpu.memory_space<vmem>>, vector<16xi32>,
        %get3A_110 = vector.shape_cast %get3A_109 : vector<16xi32> to vector<16xi32>
        %sub3A_111 = vector.broadcast %mul3A_16 : i32 to vector<16xi32>
        %sub3A_112 = arith.subi %get3A_110, %sub3A_111 : vector<16xi32>
        %ge3A_113 = arith.constant 0 : i32
        %ge3A_114 = vector.broadcast %ge3A_113 : i32 to vector<16xi32>
        %ge3A_115 = arith.cmpi sge, %sub3A_112, %ge3A_114 : vector<16xi32>
        %lt3A_116 = arith.constant 50176 : i32
        %lt3A_117 = vector.broadcast %lt3A_116 : i32 to vector<16xi32>
        %lt3A_118 = arith.cmpi slt, %sub3A_112, %lt3A_117 : vector<16xi32>
        %and3A_119 = arith.andi %ge3A_115, %lt3A_118 : vector<16xi1>
        %and3A_120 = arith.constant 127 : i32
        %and3A_121 = vector.broadcast %and3A_120 : i32 to vector<16xi32>
        %and3A_122 = arith.andi %get3A_110, %and3A_121 : vector<16xi32>
        %add3A_123 = arith.constant 50176 : i32
        %add3A_124 = vector.broadcast %add3A_123 : i32 to vector<16xi32>
        %add3A_125 = arith.addi %add3A_124, %and3A_122 : vector<16xi32>
        %select_n3A_126 = arith.select %and3A_119, %sub3A_112, %add3A_125 : vector<16xi1>, vector<16xi32>
        %swap3A_127 = arith.constant 32 : index
        %swap3A_128 = tpu.vector_load %arg6[%swap3A_127] {strides = array<i32>} : memref<128xi32, #tpu.memory_space<vmem>>, vector<16xi32>,
        %swap3A_129 = vector.shape_cast %swap3A_128 : vector<16xi32> to vector<16xi32>
        %swap3A_130 = vector.shape_cast %select_n3A_126 : vector<16xi32> to vector<16xi32>
        tpu.vector_store %arg6[%swap3A_127], %swap3A_130 {strides = array<i32>} : memref<128xi32, #tpu.memory_space<vmem>>, vector<16xi32>,
        %get3A_131 = arith.constant 0 : i32
        %get3A_132 = tpu.memref_slice %arg5[%scan3A_56, %get3A_131] : memref<25x128xi32, #tpu.memory_space<vmem>> -> memref<1x128xi32, #tpu.memory_space<vmem>>
        %get3A_133 = tpu.memref_squeeze %get3A_132 : memref<1x128xi32, #tpu.memory_space<vmem>> -> memref<128xi32, #tpu.memory_space<vmem>>
        %get3A_134 = arith.constant 48 : index
        %get3A_135 = tpu.vector_load %get3A_133[%get3A_134] {strides = array<i32>} : memref<128xi32, #tpu.memory_space<vmem>>, vector<16xi32>,
        %get3A_136 = vector.shape_cast %get3A_135 : vector<16xi32> to vector<16xi32>
        %sub3A_137 = vector.broadcast %mul3A_16 : i32 to vector<16xi32>
        %sub3A_138 = arith.subi %get3A_136, %sub3A_137 : vector<16xi32>
        %ge3A_139 = arith.constant 0 : i32
        %ge3A_140 = vector.broadcast %ge3A_139 : i32 to vector<16xi32>
        %ge3A_141 = arith.cmpi sge, %sub3A_138, %ge3A_140 : vector<16xi32>
        %lt3A_142 = arith.constant 50176 : i32
        %lt3A_143 = vector.broadcast %lt3A_142 : i32 to vector<16xi32>
        %lt3A_144 = arith.cmpi slt, %sub3A_138, %lt3A_143 : vector<16xi32>
        %and3A_145 = arith.andi %ge3A_141, %lt3A_144 : vector<16xi1>
        %and3A_146 = arith.constant 127 : i32
        %and3A_147 = vector.broadcast %and3A_146 : i32 to vector<16xi32>
        %and3A_148 = arith.andi %get3A_136, %and3A_147 : vector<16xi32>
        %add3A_149 = arith.constant 50176 : i32
        %add3A_150 = vector.broadcast %add3A_149 : i32 to vector<16xi32>
        %add3A_151 = arith.addi %add3A_150, %and3A_148 : vector<16xi32>
        %select_n3A_152 = arith.select %and3A_145, %sub3A_138, %add3A_151 : vector<16xi1>, vector<16xi32>
        %swap3A_153 = arith.constant 48 : index
        %swap3A_154 = tpu.vector_load %arg6[%swap3A_153] {strides = array<i32>} : memref<128xi32, #tpu.memory_space<vmem>>, vector<16xi32>,
        %swap3A_155 = vector.shape_cast %swap3A_154 : vector<16xi32> to vector<16xi32>
        %swap3A_156 = vector.shape_cast %select_n3A_152 : vector<16xi32> to vector<16xi32>
        tpu.vector_store %arg6[%swap3A_153], %swap3A_156 {strides = array<i32>} : memref<128xi32, #tpu.memory_space<vmem>>, vector<16xi32>,
        %get3A_157 = arith.constant 0 : i32
        %get3A_158 = tpu.memref_slice %arg5[%scan3A_56, %get3A_157] : memref<25x128xi32, #tpu.memory_space<vmem>> -> memref<1x128xi32, #tpu.memory_space<vmem>>
        %get3A_159 = tpu.memref_squeeze %get3A_158 : memref<1x128xi32, #tpu.memory_space<vmem>> -> memref<128xi32, #tpu.memory_space<vmem>>
        %get3A_160 = arith.constant 64 : index
        %get3A_161 = tpu.vector_load %get3A_159[%get3A_160] {strides = array<i32>} : memref<128xi32, #tpu.memory_space<vmem>>, vector<16xi32>,
        %get3A_162 = vector.shape_cast %get3A_161 : vector<16xi32> to vector<16xi32>
        %sub3A_163 = vector.broadcast %mul3A_16 : i32 to vector<16xi32>
        %sub3A_164 = arith.subi %get3A_162, %sub3A_163 : vector<16xi32>
        %ge3A_165 = arith.constant 0 : i32
        %ge3A_166 = vector.broadcast %ge3A_165 : i32 to vector<16xi32>
        %ge3A_167 = arith.cmpi sge, %sub3A_164, %ge3A_166 : vector<16xi32>
        %lt3A_168 = arith.constant 50176 : i32
        %lt3A_169 = vector.broadcast %lt3A_168 : i32 to vector<16xi32>
        %lt3A_170 = arith.cmpi slt, %sub3A_164, %lt3A_169 : vector<16xi32>
        %and3A_171 = arith.andi %ge3A_167, %lt3A_170 : vector<16xi1>
        %and3A_172 = arith.constant 127 : i32
        %and3A_173 = vector.broadcast %and3A_172 : i32 to vector<16xi32>
        %and3A_174 = arith.andi %get3A_162, %and3A_173 : vector<16xi32>
        %add3A_175 = arith.constant 50176 : i32
        %add3A_176 = vector.broadcast %add3A_175 : i32 to vector<16xi32>
        %add3A_177 = arith.addi %add3A_176, %and3A_174 : vector<16xi32>
        %select_n3A_178 = arith.select %and3A_171, %sub3A_164, %add3A_177 : vector<16xi1>, vector<16xi32>
        %swap3A_179 = arith.constant 64 : index
        %swap3A_180 = tpu.vector_load %arg6[%swap3A_179] {strides = array<i32>} : memref<128xi32, #tpu.memory_space<vmem>>, vector<16xi32>,
        %swap3A_181 = vector.shape_cast %swap3A_180 : vector<16xi32> to vector<16xi32>
        %swap3A_182 = vector.shape_cast %select_n3A_178 : vector<16xi32> to vector<16xi32>
        tpu.vector_store %arg6[%swap3A_179], %swap3A_182 {strides = array<i32>} : memref<128xi32, #tpu.memory_space<vmem>>, vector<16xi32>,
        %get3A_183 = arith.constant 0 : i32
        %get3A_184 = tpu.memref_slice %arg5[%scan3A_56, %get3A_183] : memref<25x128xi32, #tpu.memory_space<vmem>> -> memref<1x128xi32, #tpu.memory_space<vmem>>
        %get3A_185 = tpu.memref_squeeze %get3A_184 : memref<1x128xi32, #tpu.memory_space<vmem>> -> memref<128xi32, #tpu.memory_space<vmem>>
        %get3A_186 = arith.constant 80 : index
        %get3A_187 = tpu.vector_load %get3A_185[%get3A_186] {strides = array<i32>} : memref<128xi32, #tpu.memory_space<vmem>>, vector<16xi32>,
        %get3A_188 = vector.shape_cast %get3A_187 : vector<16xi32> to vector<16xi32>
        %sub3A_189 = vector.broadcast %mul3A_16 : i32 to vector<16xi32>
        %sub3A_190 = arith.subi %get3A_188, %sub3A_189 : vector<16xi32>
        %ge3A_191 = arith.constant 0 : i32
        %ge3A_192 = vector.broadcast %ge3A_191 : i32 to vector<16xi32>
        %ge3A_193 = arith.cmpi sge, %sub3A_190, %ge3A_192 : vector<16xi32>
        %lt3A_194 = arith.constant 50176 : i32
        %lt3A_195 = vector.broadcast %lt3A_194 : i32 to vector<16xi32>
        %lt3A_196 = arith.cmpi slt, %sub3A_190, %lt3A_195 : vector<16xi32>
        %and3A_197 = arith.andi %ge3A_193, %lt3A_196 : vector<16xi1>
        %and3A_198 = arith.constant 127 : i32
        %and3A_199 = vector.broadcast %and3A_198 : i32 to vector<16xi32>
        %and3A_200 = arith.andi %get3A_188, %and3A_199 : vector<16xi32>
        %add3A_201 = arith.constant 50176 : i32
        %add3A_202 = vector.broadcast %add3A_201 : i32 to vector<16xi32>
        %add3A_203 = arith.addi %add3A_202, %and3A_200 : vector<16xi32>
        %select_n3A_204 = arith.select %and3A_197, %sub3A_190, %add3A_203 : vector<16xi1>, vector<16xi32>
        %swap3A_205 = arith.constant 80 : index
        %swap3A_206 = tpu.vector_load %arg6[%swap3A_205] {strides = array<i32>} : memref<128xi32, #tpu.memory_space<vmem>>, vector<16xi32>,
        %swap3A_207 = vector.shape_cast %swap3A_206 : vector<16xi32> to vector<16xi32>
        %swap3A_208 = vector.shape_cast %select_n3A_204 : vector<16xi32> to vector<16xi32>
        tpu.vector_store %arg6[%swap3A_205], %swap3A_208 {strides = array<i32>} : memref<128xi32, #tpu.memory_space<vmem>>, vector<16xi32>,
        %get3A_209 = arith.constant 0 : i32
        %get3A_210 = tpu.memref_slice %arg5[%scan3A_56, %get3A_209] : memref<25x128xi32, #tpu.memory_space<vmem>> -> memref<1x128xi32, #tpu.memory_space<vmem>>
        %get3A_211 = tpu.memref_squeeze %get3A_210 : memref<1x128xi32, #tpu.memory_space<vmem>> -> memref<128xi32, #tpu.memory_space<vmem>>
        %get3A_212 = arith.constant 96 : index
        %get3A_213 = tpu.vector_load %get3A_211[%get3A_212] {strides = array<i32>} : memref<128xi32, #tpu.memory_space<vmem>>, vector<16xi32>,
        %get3A_214 = vector.shape_cast %get3A_213 : vector<16xi32> to vector<16xi32>
        %sub3A_215 = vector.broadcast %mul3A_16 : i32 to vector<16xi32>
        %sub3A_216 = arith.subi %get3A_214, %sub3A_215 : vector<16xi32>
        %ge3A_217 = arith.constant 0 : i32
        %ge3A_218 = vector.broadcast %ge3A_217 : i32 to vector<16xi32>
        %ge3A_219 = arith.cmpi sge, %sub3A_216, %ge3A_218 : vector<16xi32>
        %lt3A_220 = arith.constant 50176 : i32
        %lt3A_221 = vector.broadcast %lt3A_220 : i32 to vector<16xi32>
        %lt3A_222 = arith.cmpi slt, %sub3A_216, %lt3A_221 : vector<16xi32>
        %and3A_223 = arith.andi %ge3A_219, %lt3A_222 : vector<16xi1>
        %and3A_224 = arith.constant 127 : i32
        %and3A_225 = vector.broadcast %and3A_224 : i32 to vector<16xi32>
        %and3A_226 = arith.andi %get3A_214, %and3A_225 : vector<16xi32>
        %add3A_227 = arith.constant 50176 : i32
        %add3A_228 = vector.broadcast %add3A_227 : i32 to vector<16xi32>
        %add3A_229 = arith.addi %add3A_228, %and3A_226 : vector<16xi32>
        %select_n3A_230 = arith.select %and3A_223, %sub3A_216, %add3A_229 : vector<16xi1>, vector<16xi32>
        %swap3A_231 = arith.constant 96 : index
        %swap3A_232 = tpu.vector_load %arg6[%swap3A_231] {strides = array<i32>} : memref<128xi32, #tpu.memory_space<vmem>>, vector<16xi32>,
        %swap3A_233 = vector.shape_cast %swap3A_232 : vector<16xi32> to vector<16xi32>
        %swap3A_234 = vector.shape_cast %select_n3A_230 : vector<16xi32> to vector<16xi32>
        tpu.vector_store %arg6[%swap3A_231], %swap3A_234 {strides = array<i32>} : memref<128xi32, #tpu.memory_space<vmem>>, vector<16xi32>,
        %get3A_235 = arith.constant 0 : i32
        %get3A_236 = tpu.memref_slice %arg5[%scan3A_56, %get3A_235] : memref<25x128xi32, #tpu.memory_space<vmem>> -> memref<1x128xi32, #tpu.memory_space<vmem>>
        %get3A_237 = tpu.memref_squeeze %get3A_236 : memref<1x128xi32, #tpu.memory_space<vmem>> -> memref<128xi32, #tpu.memory_space<vmem>>
        %get3A_238 = arith.constant 112 : index
        %get3A_239 = tpu.vector_load %get3A_237[%get3A_238] {strides = array<i32>} : memref<128xi32, #tpu.memory_space<vmem>>, vector<16xi32>,
        %get3A_240 = vector.shape_cast %get3A_239 : vector<16xi32> to vector<16xi32>
        %sub3A_241 = vector.broadcast %mul3A_16 : i32 to vector<16xi32>
        %sub3A_242 = arith.subi %get3A_240, %sub3A_241 : vector<16xi32>
        %ge3A_243 = arith.constant 0 : i32
        %ge3A_244 = vector.broadcast %ge3A_243 : i32 to vector<16xi32>
        %ge3A_245 = arith.cmpi sge, %sub3A_242, %ge3A_244 : vector<16xi32>
        %lt3A_246 = arith.constant 50176 : i32
        %lt3A_247 = vector.broadcast %lt3A_246 : i32 to vector<16xi32>
        %lt3A_248 = arith.cmpi slt, %sub3A_242, %lt3A_247 : vector<16xi32>
        %and3A_249 = arith.andi %ge3A_245, %lt3A_248 : vector<16xi1>
        %and3A_250 = arith.constant 127 : i32
        %and3A_251 = vector.broadcast %and3A_250 : i32 to vector<16xi32>
        %and3A_252 = arith.andi %get3A_240, %and3A_251 : vector<16xi32>
        %add3A_253 = arith.constant 50176 : i32
        %add3A_254 = vector.broadcast %add3A_253 : i32 to vector<16xi32>
        %add3A_255 = arith.addi %add3A_254, %and3A_252 : vector<16xi32>
        %select_n3A_256 = arith.select %and3A_249, %sub3A_242, %add3A_255 : vector<16xi1>, vector<16xi32>
        %swap3A_257 = arith.constant 112 : index
        %swap3A_258 = tpu.vector_load %arg6[%swap3A_257] {strides = array<i32>} : memref<128xi32, #tpu.memory_space<vmem>>, vector<16xi32>,
        %swap3A_259 = vector.shape_cast %swap3A_258 : vector<16xi32> to vector<16xi32>
        %swap3A_260 = vector.shape_cast %select_n3A_256 : vector<16xi32> to vector<16xi32>
        tpu.vector_store %arg6[%swap3A_257], %swap3A_260 {strides = array<i32>} : memref<128xi32, #tpu.memory_space<vmem>>, vector<16xi32>,
        %mul3A_261 = arith.constant 128 : i32
        %mul3A_262 = arith.muli %scan3A_56, %mul3A_261 : i32
        "tpu.region"() ({
          %run_scoped3A = tpu.sem_alloc : memref<!tpu.dma_semaphore, #tpu.memory_space<semaphore_mem>>
          %dma_start3A = arith.constant 0 : i32
          %dma_start3A_263 = tpu.memref_slice %arg7[%mul3A_262, %dma_start3A] : memref<3200x16xf32, #tpu.memory_space<vmem>> -> memref<128x16xf32, #tpu.memory_space<vmem>>
          %dma_start3A_264 = arith.constant 0 : i32
          %dma_start3A_265 = arith.constant 0 : i32
          %dma_start3A_266 = tpu.memref_slice %arg9[%dma_start3A_264, %dma_start3A_265] : memref<50304x16xf32, #tpu.memory_space<vmem_shared>> -> memref<50304x16xf32, #tpu.memory_space<vmem_shared>>
          tpu.enqueue_indirect_dma source(%dma_start3A_263 : memref<128x16xf32, #tpu.memory_space<vmem>>) target(%dma_start3A_266 : memref<50304x16xf32, #tpu.memory_space<vmem_shared>>) offsets(%arg6 : memref<128xi32, #tpu.memory_space<vmem>>) semaphore(%run_scoped3A : memref<!tpu.dma_semaphore, #tpu.memory_space<semaphore_mem>>) {add = true}
          %dma_wait3A = arith.constant 0 : i32
          %dma_wait3A_267 = tpu.memref_slice %arg7[%mul3A_262, %dma_wait3A] : memref<3200x16xf32, #tpu.memory_space<vmem>> -> memref<128x16xf32, #tpu.memory_space<vmem>>
          %dma_wait3A_268 = arith.constant 0 : i32
          %dma_wait3A_269 = arith.constant 0 : i32
          %dma_wait3A_270 = tpu.memref_slice %arg9[%dma_wait3A_268, %dma_wait3A_269] : memref<50304x16xf32, #tpu.memory_space<vmem_shared>> -> memref<50304x16xf32, #tpu.memory_space<vmem_shared>>
          tpu.wait_indirect_dma semaphore(%run_scoped3A : memref<!tpu.dma_semaphore, #tpu.memory_space<semaphore_mem>>) src(%dma_wait3A_267 : memref<128x16xf32, #tpu.memory_space<vmem>>) dst(%dma_wait3A_270 : memref<50304x16xf32, #tpu.memory_space<vmem_shared>>)
          tpu.yield
        }) : () -> ()
      }
      %scan3A_55 = arith.constant 25 : i32
    }
    %scan3A_22 = arith.constant 32 : i32
    %barrier3A_23 = arith.constant 0 : index
    tpu.barrier barrier_id(%barrier3A_23)
    %mul3A_24 = arith.constant 3136 : i32
    %mul3A_25 = arith.muli %arg1, %mul3A_24 : i32
    %mul3A_26 = arith.constant 50176 : i32
    %mul3A_27 = arith.muli %arg0, %mul3A_26 : i32
    %mul3A_28 = arith.constant 3136 : i32
    %mul3A_29 = arith.muli %arg1, %mul3A_28 : i32
    %add3A = arith.addi %mul3A_27, %mul3A_29 : i32
    "tpu.region"() ({
      %run_scoped3A = tpu.sem_alloc : memref<!tpu.dma_semaphore, #tpu.memory_space<semaphore_mem>>
      %dma_start3A = arith.constant 0 : i32
      %dma_start3A_30 = tpu.memref_slice %arg4[%add3A, %dma_start3A] : memref<100352x16xf32, #tpu.memory_space<hbm>> -> memref<3136x16xf32, #tpu.memory_space<hbm>>
      %dma_start3A_31 = arith.constant 0 : i32
      %dma_start3A_32 = tpu.memref_slice %arg9[%mul3A_25, %dma_start3A_31] : memref<50304x16xf32, #tpu.memory_space<vmem_shared>> -> memref<3136x16xf32, #tpu.memory_space<vmem_shared>>
      tpu.enqueue_dma source(%dma_start3A_32 : memref<3136x16xf32, #tpu.memory_space<vmem_shared>>) target(%dma_start3A_30 : memref<3136x16xf32, #tpu.memory_space<hbm>>) target_semaphore(%run_scoped3A : memref<!tpu.dma_semaphore, #tpu.memory_space<semaphore_mem>>)
      %dma_wait3A = arith.constant 0 : i32
      %dma_wait3A_33 = tpu.memref_slice %arg4[%add3A, %dma_wait3A] : memref<100352x16xf32, #tpu.memory_space<hbm>> -> memref<3136x16xf32, #tpu.memory_space<hbm>>
      %dma_wait3A_34 = arith.constant 0 : i32
      %dma_wait3A_35 = tpu.memref_slice %arg9[%mul3A_25, %dma_wait3A_34] : memref<50304x16xf32, #tpu.memory_space<vmem_shared>> -> memref<3136x16xf32, #tpu.memory_space<vmem_shared>>
      tpu.wait_dma2 semaphore(%run_scoped3A : memref<!tpu.dma_semaphore, #tpu.memory_space<semaphore_mem>>) src(%dma_wait3A_35 : memref<3136x16xf32, #tpu.memory_space<vmem_shared>>) dst(%dma_wait3A_33 : memref<3136x16xf32, #tpu.memory_space<hbm>>)
      tpu.yield
    }) : () -> ()
    return
  }
}

#map = affine_map<(d0, d1) -> (0, 0)>
#map1 = affine_map<(d0, d1) -> (0)>
module attributes {stable_mosaic.version = 14 : i64} {
  func.func @k(%arg0: i32, %arg1: i32, %arg2: memref<100352x16xf32, #tpu.memory_space<hbm>>, %arg3: memref<3276800xi32, #tpu.memory_space<hbm>>, %arg4: memref<1638400x16xf32, #tpu.memory_space<hbm>>, %arg5: memref<1600xi32, #tpu.memory_space<vmem>>, %arg6: memref<1600xi32, #tpu.memory_space<vmem>>, %arg7: memref<1600xi32, #tpu.memory_space<vmem>>, %arg8: memref<1600xi32, #tpu.memory_space<vmem>>, %arg9: memref<1600x16xf32, #tpu.memory_space<vmem>>, %arg10: memref<1600x16xf32, #tpu.memory_space<vmem>>, %arg11: memref<1600x16xf32, #tpu.memory_space<vmem>>, %arg12: memref<1600x16xf32, #tpu.memory_space<vmem>>, %arg13: memref<!tpu.dma_semaphore, #tpu.memory_space<semaphore_mem>>, %arg14: memref<!tpu.dma_semaphore, #tpu.memory_space<semaphore_mem>>, %arg15: memref<!tpu.dma_semaphore, #tpu.memory_space<semaphore_mem>>, %arg16: memref<!tpu.dma_semaphore, #tpu.memory_space<semaphore_mem>>) attributes {dimension_semantics = [#tpu.dimension_semantics<core_parallel>, #tpu.dimension_semantics<subcore_parallel>], iteration_bounds = array<i64: 2, 16>, scalar_prefetch = 0 : i64, scratch_operands = 12 : i64, tpu.core_type = #tpu.core_type<sc_vector_subcore>, window_params = [{transform_indices = #map}, {transform_indices = #map1}, {transform_indices = #map}]} {
    %mul3A = arith.constant 2 : i32
    %mul3A_0 = arith.muli %arg1, %mul3A : i32
    %add3A = arith.addi %mul3A_0, %arg0 : i32
    %mul3A_1 = arith.constant 51200 : i32
    %mul3A_2 = arith.muli %add3A, %mul3A_1 : i32
    "tpu.region"() ({
      %run_scoped3A = tpu.sem_alloc : memref<!tpu.dma_semaphore, #tpu.memory_space<semaphore_mem>>
      %dma_start3A_20 = tpu.memref_slice %arg3[%mul3A_2] : memref<3276800xi32, #tpu.memory_space<hbm>> -> memref<1600xi32, #tpu.memory_space<hbm>>
      %dma_start3A_21 = tpu.memref_slice %arg3[%mul3A_2] : memref<3276800xi32, #tpu.memory_space<hbm>> -> memref<1600xi32, #tpu.memory_space<hbm>>
      tpu.enqueue_dma source(%dma_start3A_21 : memref<1600xi32, #tpu.memory_space<hbm>>) target(%arg5 : memref<1600xi32, #tpu.memory_space<vmem>>) target_semaphore(%run_scoped3A : memref<!tpu.dma_semaphore, #tpu.memory_space<semaphore_mem>>)
      %dma_wait3A_22 = tpu.memref_slice %arg3[%mul3A_2] : memref<3276800xi32, #tpu.memory_space<hbm>> -> memref<1600xi32, #tpu.memory_space<hbm>>
      %dma_wait3A_23 = tpu.memref_slice %arg3[%mul3A_2] : memref<3276800xi32, #tpu.memory_space<hbm>> -> memref<1600xi32, #tpu.memory_space<hbm>>
      tpu.wait_dma2 semaphore(%run_scoped3A : memref<!tpu.dma_semaphore, #tpu.memory_space<semaphore_mem>>) src(%dma_wait3A_23 : memref<1600xi32, #tpu.memory_space<hbm>>) dst(%arg5 : memref<1600xi32, #tpu.memory_space<vmem>>)
      tpu.yield
    }) : () -> ()
    %add3A_3 = arith.constant 1638400 : i32
    %add3A_4 = arith.addi %add3A_3, %mul3A_2 : i32
    "tpu.region"() ({
      %run_scoped3A = tpu.sem_alloc : memref<!tpu.dma_semaphore, #tpu.memory_space<semaphore_mem>>
      %dma_start3A_20 = tpu.memref_slice %arg3[%add3A_4] : memref<3276800xi32, #tpu.memory_space<hbm>> -> memref<1600xi32, #tpu.memory_space<hbm>>
      %dma_start3A_21 = tpu.memref_slice %arg3[%add3A_4] : memref<3276800xi32, #tpu.memory_space<hbm>> -> memref<1600xi32, #tpu.memory_space<hbm>>
      tpu.enqueue_dma source(%dma_start3A_21 : memref<1600xi32, #tpu.memory_space<hbm>>) target(%arg7 : memref<1600xi32, #tpu.memory_space<vmem>>) target_semaphore(%run_scoped3A : memref<!tpu.dma_semaphore, #tpu.memory_space<semaphore_mem>>)
      %dma_wait3A_22 = tpu.memref_slice %arg3[%add3A_4] : memref<3276800xi32, #tpu.memory_space<hbm>> -> memref<1600xi32, #tpu.memory_space<hbm>>
      %dma_wait3A_23 = tpu.memref_slice %arg3[%add3A_4] : memref<3276800xi32, #tpu.memory_space<hbm>> -> memref<1600xi32, #tpu.memory_space<hbm>>
      tpu.wait_dma2 semaphore(%run_scoped3A : memref<!tpu.dma_semaphore, #tpu.memory_space<semaphore_mem>>) src(%dma_wait3A_23 : memref<1600xi32, #tpu.memory_space<hbm>>) dst(%arg7 : memref<1600xi32, #tpu.memory_space<vmem>>)
      tpu.yield
    }) : () -> ()
    %dma_start3A = arith.constant 0 : i32
    %dma_start3A_5 = arith.constant 0 : i32
    %dma_start3A_6 = tpu.memref_slice %arg2[%dma_start3A, %dma_start3A_5] : memref<100352x16xf32, #tpu.memory_space<hbm>> -> memref<100352x16xf32, #tpu.memory_space<hbm>>
    tpu.enqueue_indirect_dma source(%dma_start3A_6 : memref<100352x16xf32, #tpu.memory_space<hbm>>) target(%arg9 : memref<1600x16xf32, #tpu.memory_space<vmem>>) offsets(%arg5 : memref<1600xi32, #tpu.memory_space<vmem>>) semaphore(%arg13 : memref<!tpu.dma_semaphore, #tpu.memory_space<semaphore_mem>>)
    %dma_start3A_7 = arith.constant 0 : i32
    %dma_start3A_8 = arith.constant 0 : i32
    %dma_start3A_9 = tpu.memref_slice %arg2[%dma_start3A_7, %dma_start3A_8] : memref<100352x16xf32, #tpu.memory_space<hbm>> -> memref<100352x16xf32, #tpu.memory_space<hbm>>
    tpu.enqueue_indirect_dma source(%dma_start3A_9 : memref<100352x16xf32, #tpu.memory_space<hbm>>) target(%arg11 : memref<1600x16xf32, #tpu.memory_space<vmem>>) offsets(%arg7 : memref<1600xi32, #tpu.memory_space<vmem>>) semaphore(%arg13 : memref<!tpu.dma_semaphore, #tpu.memory_space<semaphore_mem>>)
    %scan3A = arith.constant 0 : i32
    %scan3A_10 = arith.constant 0 : i32
    %scan3A_11 = arith.constant 16 : i32
    %scan3A_12 = arith.addi %scan3A_10, %scan3A_11 : i32
    %scan3A_13 = arith.constant 1 : i32
    scf.for %scan3A_20 = %scan3A_10 to %scan3A_12 step %scan3A_13  : i32 {
      %mul3A_21 = arith.constant 2 : i32
      %mul3A_22 = arith.muli %scan3A_20, %mul3A_21 : i32
      %add3A_23 = arith.constant 0 : i32
      %add3A_24 = arith.addi %mul3A_22, %add3A_23 : i32
      %mul3A_25 = arith.constant 1600 : i32
      %mul3A_26 = arith.muli %add3A_24, %mul3A_25 : i32
      %add3A_27 = arith.addi %mul3A_2, %mul3A_26 : i32
      %dma_wait3A_28 = arith.constant 0 : i32
      %dma_wait3A_29 = arith.constant 0 : i32
      %dma_wait3A_30 = tpu.memref_slice %arg2[%dma_wait3A_28, %dma_wait3A_29] : memref<100352x16xf32, #tpu.memory_space<hbm>> -> memref<100352x16xf32, #tpu.memory_space<hbm>>
      tpu.wait_indirect_dma semaphore(%arg13 : memref<!tpu.dma_semaphore, #tpu.memory_space<semaphore_mem>>) src(%dma_wait3A_30 : memref<100352x16xf32, #tpu.memory_space<hbm>>) dst(%arg9 : memref<1600x16xf32, #tpu.memory_space<vmem>>)
      %dma_wait3A_31 = arith.constant 0 : i32
      %dma_wait3A_32 = arith.constant 0 : i32
      %dma_wait3A_33 = tpu.memref_slice %arg2[%dma_wait3A_31, %dma_wait3A_32] : memref<100352x16xf32, #tpu.memory_space<hbm>> -> memref<100352x16xf32, #tpu.memory_space<hbm>>
      tpu.wait_indirect_dma semaphore(%arg13 : memref<!tpu.dma_semaphore, #tpu.memory_space<semaphore_mem>>) src(%dma_wait3A_33 : memref<100352x16xf32, #tpu.memory_space<hbm>>) dst(%arg11 : memref<1600x16xf32, #tpu.memory_space<vmem>>)
      %add3A_34 = arith.constant 1 : i32
      %add3A_35 = arith.addi %add3A_24, %add3A_34 : i32
      %lt3A = arith.constant 32 : i32
      %lt3A_36 = arith.cmpi slt, %add3A_35, %lt3A : i32
      %convert_element_type3A = arith.extui %lt3A_36 : i1 to i32
      %cond3A = arith.constant 0 : i32
      %cond3A_37 = arith.cmpi ne, %convert_element_type3A, %cond3A : i32
      scf.if %cond3A_37 {
        %add3A_78 = arith.constant 1600 : i32
        %add3A_79 = arith.addi %add3A_27, %add3A_78 : i32
        "tpu.region"() ({
          %run_scoped3A = tpu.sem_alloc : memref<!tpu.dma_semaphore, #tpu.memory_space<semaphore_mem>>
          %dma_start3A_92 = tpu.memref_slice %arg3[%add3A_79] : memref<3276800xi32, #tpu.memory_space<hbm>> -> memref<1600xi32, #tpu.memory_space<hbm>>
          %dma_start3A_93 = tpu.memref_slice %arg3[%add3A_79] : memref<3276800xi32, #tpu.memory_space<hbm>> -> memref<1600xi32, #tpu.memory_space<hbm>>
          tpu.enqueue_dma source(%dma_start3A_93 : memref<1600xi32, #tpu.memory_space<hbm>>) target(%arg6 : memref<1600xi32, #tpu.memory_space<vmem>>) target_semaphore(%run_scoped3A : memref<!tpu.dma_semaphore, #tpu.memory_space<semaphore_mem>>)
          %dma_wait3A_94 = tpu.memref_slice %arg3[%add3A_79] : memref<3276800xi32, #tpu.memory_space<hbm>> -> memref<1600xi32, #tpu.memory_space<hbm>>
          %dma_wait3A_95 = tpu.memref_slice %arg3[%add3A_79] : memref<3276800xi32, #tpu.memory_space<hbm>> -> memref<1600xi32, #tpu.memory_space<hbm>>
          tpu.wait_dma2 semaphore(%run_scoped3A : memref<!tpu.dma_semaphore, #tpu.memory_space<semaphore_mem>>) src(%dma_wait3A_95 : memref<1600xi32, #tpu.memory_space<hbm>>) dst(%arg6 : memref<1600xi32, #tpu.memory_space<vmem>>)
          tpu.yield
        }) : () -> ()
        %add3A_80 = arith.constant 1638400 : i32
        %add3A_81 = arith.addi %add3A_80, %add3A_79 : i32
        "tpu.region"() ({
          %run_scoped3A = tpu.sem_alloc : memref<!tpu.dma_semaphore, #tpu.memory_space<semaphore_mem>>
          %dma_start3A_92 = tpu.memref_slice %arg3[%add3A_81] : memref<3276800xi32, #tpu.memory_space<hbm>> -> memref<1600xi32, #tpu.memory_space<hbm>>
          %dma_start3A_93 = tpu.memref_slice %arg3[%add3A_81] : memref<3276800xi32, #tpu.memory_space<hbm>> -> memref<1600xi32, #tpu.memory_space<hbm>>
          tpu.enqueue_dma source(%dma_start3A_93 : memref<1600xi32, #tpu.memory_space<hbm>>) target(%arg8 : memref<1600xi32, #tpu.memory_space<vmem>>) target_semaphore(%run_scoped3A : memref<!tpu.dma_semaphore, #tpu.memory_space<semaphore_mem>>)
          %dma_wait3A_94 = tpu.memref_slice %arg3[%add3A_81] : memref<3276800xi32, #tpu.memory_space<hbm>> -> memref<1600xi32, #tpu.memory_space<hbm>>
          %dma_wait3A_95 = tpu.memref_slice %arg3[%add3A_81] : memref<3276800xi32, #tpu.memory_space<hbm>> -> memref<1600xi32, #tpu.memory_space<hbm>>
          tpu.wait_dma2 semaphore(%run_scoped3A : memref<!tpu.dma_semaphore, #tpu.memory_space<semaphore_mem>>) src(%dma_wait3A_95 : memref<1600xi32, #tpu.memory_space<hbm>>) dst(%arg8 : memref<1600xi32, #tpu.memory_space<vmem>>)
          tpu.yield
        }) : () -> ()
        %ge3A = arith.constant 1 : i32
        %ge3A_82 = arith.cmpi sge, %add3A_24, %ge3A : i32
        %convert_element_type3A_83 = arith.extui %ge3A_82 : i1 to i32
        %cond3A_84 = arith.constant 0 : i32
        %cond3A_85 = arith.cmpi ne, %convert_element_type3A_83, %cond3A_84 : i32
        scf.if %cond3A_85 {
          %sub3A = arith.constant 1600 : i32
          %sub3A_92 = arith.subi %add3A_27, %sub3A : i32
          %dma_wait3A_93 = arith.constant 0 : i32
          %dma_wait3A_94 = tpu.memref_slice %arg4[%sub3A_92, %dma_wait3A_93] : memref<1638400x16xf32, #tpu.memory_space<hbm>> -> memref<1600x16xf32, #tpu.memory_space<hbm>>
          %dma_wait3A_95 = arith.constant 0 : i32
          %dma_wait3A_96 = tpu.memref_slice %arg4[%sub3A_92, %dma_wait3A_95] : memref<1638400x16xf32, #tpu.memory_space<hbm>> -> memref<1600x16xf32, #tpu.memory_space<hbm>>
          tpu.wait_dma2 semaphore(%arg16 : memref<!tpu.dma_semaphore, #tpu.memory_space<semaphore_mem>>) src(%arg10 : memref<1600x16xf32, #tpu.memory_space<vmem>>) dst(%dma_wait3A_96 : memref<1600x16xf32, #tpu.memory_space<hbm>>)
        } else {
        }
        %dma_start3A_86 = arith.constant 0 : i32
        %dma_start3A_87 = arith.constant 0 : i32
        %dma_start3A_88 = tpu.memref_slice %arg2[%dma_start3A_86, %dma_start3A_87] : memref<100352x16xf32, #tpu.memory_space<hbm>> -> memref<100352x16xf32, #tpu.memory_space<hbm>>
        tpu.enqueue_indirect_dma source(%dma_start3A_88 : memref<100352x16xf32, #tpu.memory_space<hbm>>) target(%arg10 : memref<1600x16xf32, #tpu.memory_space<vmem>>) offsets(%arg6 : memref<1600xi32, #tpu.memory_space<vmem>>) semaphore(%arg14 : memref<!tpu.dma_semaphore, #tpu.memory_space<semaphore_mem>>)
        %dma_start3A_89 = arith.constant 0 : i32
        %dma_start3A_90 = arith.constant 0 : i32
        %dma_start3A_91 = tpu.memref_slice %arg2[%dma_start3A_89, %dma_start3A_90] : memref<100352x16xf32, #tpu.memory_space<hbm>> -> memref<100352x16xf32, #tpu.memory_space<hbm>>
        tpu.enqueue_indirect_dma source(%dma_start3A_91 : memref<100352x16xf32, #tpu.memory_space<hbm>>) target(%arg12 : memref<1600x16xf32, #tpu.memory_space<vmem>>) offsets(%arg8 : memref<1600xi32, #tpu.memory_space<vmem>>) semaphore(%arg14 : memref<!tpu.dma_semaphore, #tpu.memory_space<semaphore_mem>>)
      } else {
      }
      %scan3A_38 = arith.constant 0 : i32
      %scan3A_39 = arith.constant 0 : i32
      %scan3A_40 = arith.constant 200 : i32
      %scan3A_41 = arith.addi %scan3A_39, %scan3A_40 : i32
      %scan3A_42 = arith.constant 1 : i32
      scf.for %scan3A_78 = %scan3A_39 to %scan3A_41 step %scan3A_42  : i32 {
        %mul3A_79 = arith.constant 8 : i32
        %mul3A_80 = arith.muli %scan3A_78, %mul3A_79 : i32
        %add3A_81 = arith.constant 0 : i32
        %add3A_82 = arith.addi %mul3A_80, %add3A_81 : i32
        %get3A = arith.index_cast %add3A_82 : i32 to index
        %get3A_83 = arith.constant 0 : index
        %get3A_84 = tpu.vector_load %arg9[%get3A, %get3A_83] {strides = array<i32>} : memref<1600x16xf32, #tpu.memory_space<vmem>>, vector<1x16xf32>,
        %get3A_85 = vector.shape_cast %get3A_84 : vector<1x16xf32> to vector<16xf32>
        %get3A_86 = arith.index_cast %add3A_82 : i32 to index
        %get3A_87 = arith.constant 0 : index
        %get3A_88 = tpu.vector_load %arg11[%get3A_86, %get3A_87] {strides = array<i32>} : memref<1600x16xf32, #tpu.memory_space<vmem>>, vector<1x16xf32>,
        %get3A_89 = vector.shape_cast %get3A_88 : vector<1x16xf32> to vector<16xf32>
        %add3A_90 = arith.addf %get3A_85, %get3A_89 : vector<16xf32>
        %swap3A = arith.index_cast %add3A_82 : i32 to index
        %swap3A_91 = arith.constant 0 : index
        %swap3A_92 = tpu.vector_load %arg9[%swap3A, %swap3A_91] {strides = array<i32>} : memref<1600x16xf32, #tpu.memory_space<vmem>>, vector<1x16xf32>,
        %swap3A_93 = vector.shape_cast %swap3A_92 : vector<1x16xf32> to vector<16xf32>
        %swap3A_94 = vector.shape_cast %add3A_90 : vector<16xf32> to vector<1x16xf32>
        tpu.vector_store %arg9[%swap3A, %swap3A_91], %swap3A_94 {strides = array<i32>} : memref<1600x16xf32, #tpu.memory_space<vmem>>, vector<1x16xf32>,
        %mul3A_95 = arith.constant 8 : i32
        %mul3A_96 = arith.muli %scan3A_78, %mul3A_95 : i32
        %add3A_97 = arith.constant 1 : i32
        %add3A_98 = arith.addi %mul3A_96, %add3A_97 : i32
        %get3A_99 = arith.index_cast %add3A_98 : i32 to index
        %get3A_100 = arith.constant 0 : index
        %get3A_101 = tpu.vector_load %arg9[%get3A_99, %get3A_100] {strides = array<i32>} : memref<1600x16xf32, #tpu.memory_space<vmem>>, vector<1x16xf32>,
        %get3A_102 = vector.shape_cast %get3A_101 : vector<1x16xf32> to vector<16xf32>
        %get3A_103 = arith.index_cast %add3A_98 : i32 to index
        %get3A_104 = arith.constant 0 : index
        %get3A_105 = tpu.vector_load %arg11[%get3A_103, %get3A_104] {strides = array<i32>} : memref<1600x16xf32, #tpu.memory_space<vmem>>, vector<1x16xf32>,
        %get3A_106 = vector.shape_cast %get3A_105 : vector<1x16xf32> to vector<16xf32>
        %add3A_107 = arith.addf %get3A_102, %get3A_106 : vector<16xf32>
        %swap3A_108 = arith.index_cast %add3A_98 : i32 to index
        %swap3A_109 = arith.constant 0 : index
        %swap3A_110 = tpu.vector_load %arg9[%swap3A_108, %swap3A_109] {strides = array<i32>} : memref<1600x16xf32, #tpu.memory_space<vmem>>, vector<1x16xf32>,
        %swap3A_111 = vector.shape_cast %swap3A_110 : vector<1x16xf32> to vector<16xf32>
        %swap3A_112 = vector.shape_cast %add3A_107 : vector<16xf32> to vector<1x16xf32>
        tpu.vector_store %arg9[%swap3A_108, %swap3A_109], %swap3A_112 {strides = array<i32>} : memref<1600x16xf32, #tpu.memory_space<vmem>>, vector<1x16xf32>,
        %mul3A_113 = arith.constant 8 : i32
        %mul3A_114 = arith.muli %scan3A_78, %mul3A_113 : i32
        %add3A_115 = arith.constant 2 : i32
        %add3A_116 = arith.addi %mul3A_114, %add3A_115 : i32
        %get3A_117 = arith.index_cast %add3A_116 : i32 to index
        %get3A_118 = arith.constant 0 : index
        %get3A_119 = tpu.vector_load %arg9[%get3A_117, %get3A_118] {strides = array<i32>} : memref<1600x16xf32, #tpu.memory_space<vmem>>, vector<1x16xf32>,
        %get3A_120 = vector.shape_cast %get3A_119 : vector<1x16xf32> to vector<16xf32>
        %get3A_121 = arith.index_cast %add3A_116 : i32 to index
        %get3A_122 = arith.constant 0 : index
        %get3A_123 = tpu.vector_load %arg11[%get3A_121, %get3A_122] {strides = array<i32>} : memref<1600x16xf32, #tpu.memory_space<vmem>>, vector<1x16xf32>,
        %get3A_124 = vector.shape_cast %get3A_123 : vector<1x16xf32> to vector<16xf32>
        %add3A_125 = arith.addf %get3A_120, %get3A_124 : vector<16xf32>
        %swap3A_126 = arith.index_cast %add3A_116 : i32 to index
        %swap3A_127 = arith.constant 0 : index
        %swap3A_128 = tpu.vector_load %arg9[%swap3A_126, %swap3A_127] {strides = array<i32>} : memref<1600x16xf32, #tpu.memory_space<vmem>>, vector<1x16xf32>,
        %swap3A_129 = vector.shape_cast %swap3A_128 : vector<1x16xf32> to vector<16xf32>
        %swap3A_130 = vector.shape_cast %add3A_125 : vector<16xf32> to vector<1x16xf32>
        tpu.vector_store %arg9[%swap3A_126, %swap3A_127], %swap3A_130 {strides = array<i32>} : memref<1600x16xf32, #tpu.memory_space<vmem>>, vector<1x16xf32>,
        %mul3A_131 = arith.constant 8 : i32
        %mul3A_132 = arith.muli %scan3A_78, %mul3A_131 : i32
        %add3A_133 = arith.constant 3 : i32
        %add3A_134 = arith.addi %mul3A_132, %add3A_133 : i32
        %get3A_135 = arith.index_cast %add3A_134 : i32 to index
        %get3A_136 = arith.constant 0 : index
        %get3A_137 = tpu.vector_load %arg9[%get3A_135, %get3A_136] {strides = array<i32>} : memref<1600x16xf32, #tpu.memory_space<vmem>>, vector<1x16xf32>,
        %get3A_138 = vector.shape_cast %get3A_137 : vector<1x16xf32> to vector<16xf32>
        %get3A_139 = arith.index_cast %add3A_134 : i32 to index
        %get3A_140 = arith.constant 0 : index
        %get3A_141 = tpu.vector_load %arg11[%get3A_139, %get3A_140] {strides = array<i32>} : memref<1600x16xf32, #tpu.memory_space<vmem>>, vector<1x16xf32>,
        %get3A_142 = vector.shape_cast %get3A_141 : vector<1x16xf32> to vector<16xf32>
        %add3A_143 = arith.addf %get3A_138, %get3A_142 : vector<16xf32>
        %swap3A_144 = arith.index_cast %add3A_134 : i32 to index
        %swap3A_145 = arith.constant 0 : index
        %swap3A_146 = tpu.vector_load %arg9[%swap3A_144, %swap3A_145] {strides = array<i32>} : memref<1600x16xf32, #tpu.memory_space<vmem>>, vector<1x16xf32>,
        %swap3A_147 = vector.shape_cast %swap3A_146 : vector<1x16xf32> to vector<16xf32>
        %swap3A_148 = vector.shape_cast %add3A_143 : vector<16xf32> to vector<1x16xf32>
        tpu.vector_store %arg9[%swap3A_144, %swap3A_145], %swap3A_148 {strides = array<i32>} : memref<1600x16xf32, #tpu.memory_space<vmem>>, vector<1x16xf32>,
        %mul3A_149 = arith.constant 8 : i32
        %mul3A_150 = arith.muli %scan3A_78, %mul3A_149 : i32
        %add3A_151 = arith.constant 4 : i32
        %add3A_152 = arith.addi %mul3A_150, %add3A_151 : i32
        %get3A_153 = arith.index_cast %add3A_152 : i32 to index
        %get3A_154 = arith.constant 0 : index
        %get3A_155 = tpu.vector_load %arg9[%get3A_153, %get3A_154] {strides = array<i32>} : memref<1600x16xf32, #tpu.memory_space<vmem>>, vector<1x16xf32>,
        %get3A_156 = vector.shape_cast %get3A_155 : vector<1x16xf32> to vector<16xf32>
        %get3A_157 = arith.index_cast %add3A_152 : i32 to index
        %get3A_158 = arith.constant 0 : index
        %get3A_159 = tpu.vector_load %arg11[%get3A_157, %get3A_158] {strides = array<i32>} : memref<1600x16xf32, #tpu.memory_space<vmem>>, vector<1x16xf32>,
        %get3A_160 = vector.shape_cast %get3A_159 : vector<1x16xf32> to vector<16xf32>
        %add3A_161 = arith.addf %get3A_156, %get3A_160 : vector<16xf32>
        %swap3A_162 = arith.index_cast %add3A_152 : i32 to index
        %swap3A_163 = arith.constant 0 : index
        %swap3A_164 = tpu.vector_load %arg9[%swap3A_162, %swap3A_163] {strides = array<i32>} : memref<1600x16xf32, #tpu.memory_space<vmem>>, vector<1x16xf32>,
        %swap3A_165 = vector.shape_cast %swap3A_164 : vector<1x16xf32> to vector<16xf32>
        %swap3A_166 = vector.shape_cast %add3A_161 : vector<16xf32> to vector<1x16xf32>
        tpu.vector_store %arg9[%swap3A_162, %swap3A_163], %swap3A_166 {strides = array<i32>} : memref<1600x16xf32, #tpu.memory_space<vmem>>, vector<1x16xf32>,
        %mul3A_167 = arith.constant 8 : i32
        %mul3A_168 = arith.muli %scan3A_78, %mul3A_167 : i32
        %add3A_169 = arith.constant 5 : i32
        %add3A_170 = arith.addi %mul3A_168, %add3A_169 : i32
        %get3A_171 = arith.index_cast %add3A_170 : i32 to index
        %get3A_172 = arith.constant 0 : index
        %get3A_173 = tpu.vector_load %arg9[%get3A_171, %get3A_172] {strides = array<i32>} : memref<1600x16xf32, #tpu.memory_space<vmem>>, vector<1x16xf32>,
        %get3A_174 = vector.shape_cast %get3A_173 : vector<1x16xf32> to vector<16xf32>
        %get3A_175 = arith.index_cast %add3A_170 : i32 to index
        %get3A_176 = arith.constant 0 : index
        %get3A_177 = tpu.vector_load %arg11[%get3A_175, %get3A_176] {strides = array<i32>} : memref<1600x16xf32, #tpu.memory_space<vmem>>, vector<1x16xf32>,
        %get3A_178 = vector.shape_cast %get3A_177 : vector<1x16xf32> to vector<16xf32>
        %add3A_179 = arith.addf %get3A_174, %get3A_178 : vector<16xf32>
        %swap3A_180 = arith.index_cast %add3A_170 : i32 to index
        %swap3A_181 = arith.constant 0 : index
        %swap3A_182 = tpu.vector_load %arg9[%swap3A_180, %swap3A_181] {strides = array<i32>} : memref<1600x16xf32, #tpu.memory_space<vmem>>, vector<1x16xf32>,
        %swap3A_183 = vector.shape_cast %swap3A_182 : vector<1x16xf32> to vector<16xf32>
        %swap3A_184 = vector.shape_cast %add3A_179 : vector<16xf32> to vector<1x16xf32>
        tpu.vector_store %arg9[%swap3A_180, %swap3A_181], %swap3A_184 {strides = array<i32>} : memref<1600x16xf32, #tpu.memory_space<vmem>>, vector<1x16xf32>,
        %mul3A_185 = arith.constant 8 : i32
        %mul3A_186 = arith.muli %scan3A_78, %mul3A_185 : i32
        %add3A_187 = arith.constant 6 : i32
        %add3A_188 = arith.addi %mul3A_186, %add3A_187 : i32
        %get3A_189 = arith.index_cast %add3A_188 : i32 to index
        %get3A_190 = arith.constant 0 : index
        %get3A_191 = tpu.vector_load %arg9[%get3A_189, %get3A_190] {strides = array<i32>} : memref<1600x16xf32, #tpu.memory_space<vmem>>, vector<1x16xf32>,
        %get3A_192 = vector.shape_cast %get3A_191 : vector<1x16xf32> to vector<16xf32>
        %get3A_193 = arith.index_cast %add3A_188 : i32 to index
        %get3A_194 = arith.constant 0 : index
        %get3A_195 = tpu.vector_load %arg11[%get3A_193, %get3A_194] {strides = array<i32>} : memref<1600x16xf32, #tpu.memory_space<vmem>>, vector<1x16xf32>,
        %get3A_196 = vector.shape_cast %get3A_195 : vector<1x16xf32> to vector<16xf32>
        %add3A_197 = arith.addf %get3A_192, %get3A_196 : vector<16xf32>
        %swap3A_198 = arith.index_cast %add3A_188 : i32 to index
        %swap3A_199 = arith.constant 0 : index
        %swap3A_200 = tpu.vector_load %arg9[%swap3A_198, %swap3A_199] {strides = array<i32>} : memref<1600x16xf32, #tpu.memory_space<vmem>>, vector<1x16xf32>,
        %swap3A_201 = vector.shape_cast %swap3A_200 : vector<1x16xf32> to vector<16xf32>
        %swap3A_202 = vector.shape_cast %add3A_197 : vector<16xf32> to vector<1x16xf32>
        tpu.vector_store %arg9[%swap3A_198, %swap3A_199], %swap3A_202 {strides = array<i32>} : memref<1600x16xf32, #tpu.memory_space<vmem>>, vector<1x16xf32>,
        %mul3A_203 = arith.constant 8 : i32
        %mul3A_204 = arith.muli %scan3A_78, %mul3A_203 : i32
        %add3A_205 = arith.constant 7 : i32
        %add3A_206 = arith.addi %mul3A_204, %add3A_205 : i32
        %get3A_207 = arith.index_cast %add3A_206 : i32 to index
        %get3A_208 = arith.constant 0 : index
        %get3A_209 = tpu.vector_load %arg9[%get3A_207, %get3A_208] {strides = array<i32>} : memref<1600x16xf32, #tpu.memory_space<vmem>>, vector<1x16xf32>,
        %get3A_210 = vector.shape_cast %get3A_209 : vector<1x16xf32> to vector<16xf32>
        %get3A_211 = arith.index_cast %add3A_206 : i32 to index
        %get3A_212 = arith.constant 0 : index
        %get3A_213 = tpu.vector_load %arg11[%get3A_211, %get3A_212] {strides = array<i32>} : memref<1600x16xf32, #tpu.memory_space<vmem>>, vector<1x16xf32>,
        %get3A_214 = vector.shape_cast %get3A_213 : vector<1x16xf32> to vector<16xf32>
        %add3A_215 = arith.addf %get3A_210, %get3A_214 : vector<16xf32>
        %swap3A_216 = arith.index_cast %add3A_206 : i32 to index
        %swap3A_217 = arith.constant 0 : index
        %swap3A_218 = tpu.vector_load %arg9[%swap3A_216, %swap3A_217] {strides = array<i32>} : memref<1600x16xf32, #tpu.memory_space<vmem>>, vector<1x16xf32>,
        %swap3A_219 = vector.shape_cast %swap3A_218 : vector<1x16xf32> to vector<16xf32>
        %swap3A_220 = vector.shape_cast %add3A_215 : vector<16xf32> to vector<1x16xf32>
        tpu.vector_store %arg9[%swap3A_216, %swap3A_217], %swap3A_220 {strides = array<i32>} : memref<1600x16xf32, #tpu.memory_space<vmem>>, vector<1x16xf32>,
      }
      %scan3A_43 = arith.constant 200 : i32
      %dma_start3A_44 = arith.constant 0 : i32
      %dma_start3A_45 = tpu.memref_slice %arg4[%add3A_27, %dma_start3A_44] : memref<1638400x16xf32, #tpu.memory_space<hbm>> -> memref<1600x16xf32, #tpu.memory_space<hbm>>
      %dma_start3A_46 = arith.constant 0 : i32
      %dma_start3A_47 = tpu.memref_slice %arg4[%add3A_27, %dma_start3A_46] : memref<1638400x16xf32, #tpu.memory_space<hbm>> -> memref<1600x16xf32, #tpu.memory_space<hbm>>
      tpu.enqueue_dma source(%arg9 : memref<1600x16xf32, #tpu.memory_space<vmem>>) target(%dma_start3A_47 : memref<1600x16xf32, #tpu.memory_space<hbm>>) target_semaphore(%arg15 : memref<!tpu.dma_semaphore, #tpu.memory_space<semaphore_mem>>)
      %mul3A_48 = arith.constant 2 : i32
      %mul3A_49 = arith.muli %scan3A_20, %mul3A_48 : i32
      %add3A_50 = arith.constant 1 : i32
      %add3A_51 = arith.addi %mul3A_49, %add3A_50 : i32
      %mul3A_52 = arith.constant 1600 : i32
      %mul3A_53 = arith.muli %add3A_51, %mul3A_52 : i32
      %add3A_54 = arith.addi %mul3A_2, %mul3A_53 : i32
      %dma_wait3A_55 = arith.constant 0 : i32
      %dma_wait3A_56 = arith.constant 0 : i32
      %dma_wait3A_57 = tpu.memref_slice %arg2[%dma_wait3A_55, %dma_wait3A_56] : memref<100352x16xf32, #tpu.memory_space<hbm>> -> memref<100352x16xf32, #tpu.memory_space<hbm>>
      tpu.wait_indirect_dma semaphore(%arg14 : memref<!tpu.dma_semaphore, #tpu.memory_space<semaphore_mem>>) src(%dma_wait3A_57 : memref<100352x16xf32, #tpu.memory_space<hbm>>) dst(%arg10 : memref<1600x16xf32, #tpu.memory_space<vmem>>)
      %dma_wait3A_58 = arith.constant 0 : i32
      %dma_wait3A_59 = arith.constant 0 : i32
      %dma_wait3A_60 = tpu.memref_slice %arg2[%dma_wait3A_58, %dma_wait3A_59] : memref<100352x16xf32, #tpu.memory_space<hbm>> -> memref<100352x16xf32, #tpu.memory_space<hbm>>
      tpu.wait_indirect_dma semaphore(%arg14 : memref<!tpu.dma_semaphore, #tpu.memory_space<semaphore_mem>>) src(%dma_wait3A_60 : memref<100352x16xf32, #tpu.memory_space<hbm>>) dst(%arg12 : memref<1600x16xf32, #tpu.memory_space<vmem>>)
      %add3A_61 = arith.constant 1 : i32
      %add3A_62 = arith.addi %add3A_51, %add3A_61 : i32
      %lt3A_63 = arith.constant 32 : i32
      %lt3A_64 = arith.cmpi slt, %add3A_62, %lt3A_63 : i32
      %convert_element_type3A_65 = arith.extui %lt3A_64 : i1 to i32
      %cond3A_66 = arith.constant 0 : i32
      %cond3A_67 = arith.cmpi ne, %convert_element_type3A_65, %cond3A_66 : i32
      scf.if %cond3A_67 {
        %add3A_78 = arith.constant 1600 : i32
        %add3A_79 = arith.addi %add3A_54, %add3A_78 : i32
        "tpu.region"() ({
          %run_scoped3A = tpu.sem_alloc : memref<!tpu.dma_semaphore, #tpu.memory_space<semaphore_mem>>
          %dma_start3A_92 = tpu.memref_slice %arg3[%add3A_79] : memref<3276800xi32, #tpu.memory_space<hbm>> -> memref<1600xi32, #tpu.memory_space<hbm>>
          %dma_start3A_93 = tpu.memref_slice %arg3[%add3A_79] : memref<3276800xi32, #tpu.memory_space<hbm>> -> memref<1600xi32, #tpu.memory_space<hbm>>
          tpu.enqueue_dma source(%dma_start3A_93 : memref<1600xi32, #tpu.memory_space<hbm>>) target(%arg5 : memref<1600xi32, #tpu.memory_space<vmem>>) target_semaphore(%run_scoped3A : memref<!tpu.dma_semaphore, #tpu.memory_space<semaphore_mem>>)
          %dma_wait3A_94 = tpu.memref_slice %arg3[%add3A_79] : memref<3276800xi32, #tpu.memory_space<hbm>> -> memref<1600xi32, #tpu.memory_space<hbm>>
          %dma_wait3A_95 = tpu.memref_slice %arg3[%add3A_79] : memref<3276800xi32, #tpu.memory_space<hbm>> -> memref<1600xi32, #tpu.memory_space<hbm>>
          tpu.wait_dma2 semaphore(%run_scoped3A : memref<!tpu.dma_semaphore, #tpu.memory_space<semaphore_mem>>) src(%dma_wait3A_95 : memref<1600xi32, #tpu.memory_space<hbm>>) dst(%arg5 : memref<1600xi32, #tpu.memory_space<vmem>>)
          tpu.yield
        }) : () -> ()
        %add3A_80 = arith.constant 1638400 : i32
        %add3A_81 = arith.addi %add3A_80, %add3A_79 : i32
        "tpu.region"() ({
          %run_scoped3A = tpu.sem_alloc : memref<!tpu.dma_semaphore, #tpu.memory_space<semaphore_mem>>
          %dma_start3A_92 = tpu.memref_slice %arg3[%add3A_81] : memref<3276800xi32, #tpu.memory_space<hbm>> -> memref<1600xi32, #tpu.memory_space<hbm>>
          %dma_start3A_93 = tpu.memref_slice %arg3[%add3A_81] : memref<3276800xi32, #tpu.memory_space<hbm>> -> memref<1600xi32, #tpu.memory_space<hbm>>
          tpu.enqueue_dma source(%dma_start3A_93 : memref<1600xi32, #tpu.memory_space<hbm>>) target(%arg7 : memref<1600xi32, #tpu.memory_space<vmem>>) target_semaphore(%run_scoped3A : memref<!tpu.dma_semaphore, #tpu.memory_space<semaphore_mem>>)
          %dma_wait3A_94 = tpu.memref_slice %arg3[%add3A_81] : memref<3276800xi32, #tpu.memory_space<hbm>> -> memref<1600xi32, #tpu.memory_space<hbm>>
          %dma_wait3A_95 = tpu.memref_slice %arg3[%add3A_81] : memref<3276800xi32, #tpu.memory_space<hbm>> -> memref<1600xi32, #tpu.memory_space<hbm>>
          tpu.wait_dma2 semaphore(%run_scoped3A : memref<!tpu.dma_semaphore, #tpu.memory_space<semaphore_mem>>) src(%dma_wait3A_95 : memref<1600xi32, #tpu.memory_space<hbm>>) dst(%arg7 : memref<1600xi32, #tpu.memory_space<vmem>>)
          tpu.yield
        }) : () -> ()
        %ge3A = arith.constant 1 : i32
        %ge3A_82 = arith.cmpi sge, %add3A_51, %ge3A : i32
        %convert_element_type3A_83 = arith.extui %ge3A_82 : i1 to i32
        %cond3A_84 = arith.constant 0 : i32
        %cond3A_85 = arith.cmpi ne, %convert_element_type3A_83, %cond3A_84 : i32
        scf.if %cond3A_85 {
          %sub3A = arith.constant 1600 : i32
          %sub3A_92 = arith.subi %add3A_54, %sub3A : i32
          %dma_wait3A_93 = arith.constant 0 : i32
          %dma_wait3A_94 = tpu.memref_slice %arg4[%sub3A_92, %dma_wait3A_93] : memref<1638400x16xf32, #tpu.memory_space<hbm>> -> memref<1600x16xf32, #tpu.memory_space<hbm>>
          %dma_wait3A_95 = arith.constant 0 : i32
          %dma_wait3A_96 = tpu.memref_slice %arg4[%sub3A_92, %dma_wait3A_95] : memref<1638400x16xf32, #tpu.memory_space<hbm>> -> memref<1600x16xf32, #tpu.memory_space<hbm>>
          tpu.wait_dma2 semaphore(%arg15 : memref<!tpu.dma_semaphore, #tpu.memory_space<semaphore_mem>>) src(%arg9 : memref<1600x16xf32, #tpu.memory_space<vmem>>) dst(%dma_wait3A_96 : memref<1600x16xf32, #tpu.memory_space<hbm>>)
        } else {
        }
        %dma_start3A_86 = arith.constant 0 : i32
        %dma_start3A_87 = arith.constant 0 : i32
        %dma_start3A_88 = tpu.memref_slice %arg2[%dma_start3A_86, %dma_start3A_87] : memref<100352x16xf32, #tpu.memory_space<hbm>> -> memref<100352x16xf32, #tpu.memory_space<hbm>>
        tpu.enqueue_indirect_dma source(%dma_start3A_88 : memref<100352x16xf32, #tpu.memory_space<hbm>>) target(%arg9 : memref<1600x16xf32, #tpu.memory_space<vmem>>) offsets(%arg5 : memref<1600xi32, #tpu.memory_space<vmem>>) semaphore(%arg13 : memref<!tpu.dma_semaphore, #tpu.memory_space<semaphore_mem>>)
        %dma_start3A_89 = arith.constant 0 : i32
        %dma_start3A_90 = arith.constant 0 : i32
        %dma_start3A_91 = tpu.memref_slice %arg2[%dma_start3A_89, %dma_start3A_90] : memref<100352x16xf32, #tpu.memory_space<hbm>> -> memref<100352x16xf32, #tpu.memory_space<hbm>>
        tpu.enqueue_indirect_dma source(%dma_start3A_91 : memref<100352x16xf32, #tpu.memory_space<hbm>>) target(%arg11 : memref<1600x16xf32, #tpu.memory_space<vmem>>) offsets(%arg7 : memref<1600xi32, #tpu.memory_space<vmem>>) semaphore(%arg13 : memref<!tpu.dma_semaphore, #tpu.memory_space<semaphore_mem>>)
      } else {
      }
      %scan3A_68 = arith.constant 0 : i32
      %scan3A_69 = arith.constant 0 : i32
      %scan3A_70 = arith.constant 200 : i32
      %scan3A_71 = arith.addi %scan3A_69, %scan3A_70 : i32
      %scan3A_72 = arith.constant 1 : i32
      scf.for %scan3A_78 = %scan3A_69 to %scan3A_71 step %scan3A_72  : i32 {
        %mul3A_79 = arith.constant 8 : i32
        %mul3A_80 = arith.muli %scan3A_78, %mul3A_79 : i32
        %add3A_81 = arith.constant 0 : i32
        %add3A_82 = arith.addi %mul3A_80, %add3A_81 : i32
        %get3A = arith.index_cast %add3A_82 : i32 to index
        %get3A_83 = arith.constant 0 : index
        %get3A_84 = tpu.vector_load %arg10[%get3A, %get3A_83] {strides = array<i32>} : memref<1600x16xf32, #tpu.memory_space<vmem>>, vector<1x16xf32>,
        %get3A_85 = vector.shape_cast %get3A_84 : vector<1x16xf32> to vector<16xf32>
        %get3A_86 = arith.index_cast %add3A_82 : i32 to index
        %get3A_87 = arith.constant 0 : index
        %get3A_88 = tpu.vector_load %arg12[%get3A_86, %get3A_87] {strides = array<i32>} : memref<1600x16xf32, #tpu.memory_space<vmem>>, vector<1x16xf32>,
        %get3A_89 = vector.shape_cast %get3A_88 : vector<1x16xf32> to vector<16xf32>
        %add3A_90 = arith.addf %get3A_85, %get3A_89 : vector<16xf32>
        %swap3A = arith.index_cast %add3A_82 : i32 to index
        %swap3A_91 = arith.constant 0 : index
        %swap3A_92 = tpu.vector_load %arg10[%swap3A, %swap3A_91] {strides = array<i32>} : memref<1600x16xf32, #tpu.memory_space<vmem>>, vector<1x16xf32>,
        %swap3A_93 = vector.shape_cast %swap3A_92 : vector<1x16xf32> to vector<16xf32>
        %swap3A_94 = vector.shape_cast %add3A_90 : vector<16xf32> to vector<1x16xf32>
        tpu.vector_store %arg10[%swap3A, %swap3A_91], %swap3A_94 {strides = array<i32>} : memref<1600x16xf32, #tpu.memory_space<vmem>>, vector<1x16xf32>,
        %mul3A_95 = arith.constant 8 : i32
        %mul3A_96 = arith.muli %scan3A_78, %mul3A_95 : i32
        %add3A_97 = arith.constant 1 : i32
        %add3A_98 = arith.addi %mul3A_96, %add3A_97 : i32
        %get3A_99 = arith.index_cast %add3A_98 : i32 to index
        %get3A_100 = arith.constant 0 : index
        %get3A_101 = tpu.vector_load %arg10[%get3A_99, %get3A_100] {strides = array<i32>} : memref<1600x16xf32, #tpu.memory_space<vmem>>, vector<1x16xf32>,
        %get3A_102 = vector.shape_cast %get3A_101 : vector<1x16xf32> to vector<16xf32>
        %get3A_103 = arith.index_cast %add3A_98 : i32 to index
        %get3A_104 = arith.constant 0 : index
        %get3A_105 = tpu.vector_load %arg12[%get3A_103, %get3A_104] {strides = array<i32>} : memref<1600x16xf32, #tpu.memory_space<vmem>>, vector<1x16xf32>,
        %get3A_106 = vector.shape_cast %get3A_105 : vector<1x16xf32> to vector<16xf32>
        %add3A_107 = arith.addf %get3A_102, %get3A_106 : vector<16xf32>
        %swap3A_108 = arith.index_cast %add3A_98 : i32 to index
        %swap3A_109 = arith.constant 0 : index
        %swap3A_110 = tpu.vector_load %arg10[%swap3A_108, %swap3A_109] {strides = array<i32>} : memref<1600x16xf32, #tpu.memory_space<vmem>>, vector<1x16xf32>,
        %swap3A_111 = vector.shape_cast %swap3A_110 : vector<1x16xf32> to vector<16xf32>
        %swap3A_112 = vector.shape_cast %add3A_107 : vector<16xf32> to vector<1x16xf32>
        tpu.vector_store %arg10[%swap3A_108, %swap3A_109], %swap3A_112 {strides = array<i32>} : memref<1600x16xf32, #tpu.memory_space<vmem>>, vector<1x16xf32>,
        %mul3A_113 = arith.constant 8 : i32
        %mul3A_114 = arith.muli %scan3A_78, %mul3A_113 : i32
        %add3A_115 = arith.constant 2 : i32
        %add3A_116 = arith.addi %mul3A_114, %add3A_115 : i32
        %get3A_117 = arith.index_cast %add3A_116 : i32 to index
        %get3A_118 = arith.constant 0 : index
        %get3A_119 = tpu.vector_load %arg10[%get3A_117, %get3A_118] {strides = array<i32>} : memref<1600x16xf32, #tpu.memory_space<vmem>>, vector<1x16xf32>,
        %get3A_120 = vector.shape_cast %get3A_119 : vector<1x16xf32> to vector<16xf32>
        %get3A_121 = arith.index_cast %add3A_116 : i32 to index
        %get3A_122 = arith.constant 0 : index
        %get3A_123 = tpu.vector_load %arg12[%get3A_121, %get3A_122] {strides = array<i32>} : memref<1600x16xf32, #tpu.memory_space<vmem>>, vector<1x16xf32>,
        %get3A_124 = vector.shape_cast %get3A_123 : vector<1x16xf32> to vector<16xf32>
        %add3A_125 = arith.addf %get3A_120, %get3A_124 : vector<16xf32>
        %swap3A_126 = arith.index_cast %add3A_116 : i32 to index
        %swap3A_127 = arith.constant 0 : index
        %swap3A_128 = tpu.vector_load %arg10[%swap3A_126, %swap3A_127] {strides = array<i32>} : memref<1600x16xf32, #tpu.memory_space<vmem>>, vector<1x16xf32>,
        %swap3A_129 = vector.shape_cast %swap3A_128 : vector<1x16xf32> to vector<16xf32>
        %swap3A_130 = vector.shape_cast %add3A_125 : vector<16xf32> to vector<1x16xf32>
        tpu.vector_store %arg10[%swap3A_126, %swap3A_127], %swap3A_130 {strides = array<i32>} : memref<1600x16xf32, #tpu.memory_space<vmem>>, vector<1x16xf32>,
        %mul3A_131 = arith.constant 8 : i32
        %mul3A_132 = arith.muli %scan3A_78, %mul3A_131 : i32
        %add3A_133 = arith.constant 3 : i32
        %add3A_134 = arith.addi %mul3A_132, %add3A_133 : i32
        %get3A_135 = arith.index_cast %add3A_134 : i32 to index
        %get3A_136 = arith.constant 0 : index
        %get3A_137 = tpu.vector_load %arg10[%get3A_135, %get3A_136] {strides = array<i32>} : memref<1600x16xf32, #tpu.memory_space<vmem>>, vector<1x16xf32>,
        %get3A_138 = vector.shape_cast %get3A_137 : vector<1x16xf32> to vector<16xf32>
        %get3A_139 = arith.index_cast %add3A_134 : i32 to index
        %get3A_140 = arith.constant 0 : index
        %get3A_141 = tpu.vector_load %arg12[%get3A_139, %get3A_140] {strides = array<i32>} : memref<1600x16xf32, #tpu.memory_space<vmem>>, vector<1x16xf32>,
        %get3A_142 = vector.shape_cast %get3A_141 : vector<1x16xf32> to vector<16xf32>
        %add3A_143 = arith.addf %get3A_138, %get3A_142 : vector<16xf32>
        %swap3A_144 = arith.index_cast %add3A_134 : i32 to index
        %swap3A_145 = arith.constant 0 : index
        %swap3A_146 = tpu.vector_load %arg10[%swap3A_144, %swap3A_145] {strides = array<i32>} : memref<1600x16xf32, #tpu.memory_space<vmem>>, vector<1x16xf32>,
        %swap3A_147 = vector.shape_cast %swap3A_146 : vector<1x16xf32> to vector<16xf32>
        %swap3A_148 = vector.shape_cast %add3A_143 : vector<16xf32> to vector<1x16xf32>
        tpu.vector_store %arg10[%swap3A_144, %swap3A_145], %swap3A_148 {strides = array<i32>} : memref<1600x16xf32, #tpu.memory_space<vmem>>, vector<1x16xf32>,
        %mul3A_149 = arith.constant 8 : i32
        %mul3A_150 = arith.muli %scan3A_78, %mul3A_149 : i32
        %add3A_151 = arith.constant 4 : i32
        %add3A_152 = arith.addi %mul3A_150, %add3A_151 : i32
        %get3A_153 = arith.index_cast %add3A_152 : i32 to index
        %get3A_154 = arith.constant 0 : index
        %get3A_155 = tpu.vector_load %arg10[%get3A_153, %get3A_154] {strides = array<i32>} : memref<1600x16xf32, #tpu.memory_space<vmem>>, vector<1x16xf32>,
        %get3A_156 = vector.shape_cast %get3A_155 : vector<1x16xf32> to vector<16xf32>
        %get3A_157 = arith.index_cast %add3A_152 : i32 to index
        %get3A_158 = arith.constant 0 : index
        %get3A_159 = tpu.vector_load %arg12[%get3A_157, %get3A_158] {strides = array<i32>} : memref<1600x16xf32, #tpu.memory_space<vmem>>, vector<1x16xf32>,
        %get3A_160 = vector.shape_cast %get3A_159 : vector<1x16xf32> to vector<16xf32>
        %add3A_161 = arith.addf %get3A_156, %get3A_160 : vector<16xf32>
        %swap3A_162 = arith.index_cast %add3A_152 : i32 to index
        %swap3A_163 = arith.constant 0 : index
        %swap3A_164 = tpu.vector_load %arg10[%swap3A_162, %swap3A_163] {strides = array<i32>} : memref<1600x16xf32, #tpu.memory_space<vmem>>, vector<1x16xf32>,
        %swap3A_165 = vector.shape_cast %swap3A_164 : vector<1x16xf32> to vector<16xf32>
        %swap3A_166 = vector.shape_cast %add3A_161 : vector<16xf32> to vector<1x16xf32>
        tpu.vector_store %arg10[%swap3A_162, %swap3A_163], %swap3A_166 {strides = array<i32>} : memref<1600x16xf32, #tpu.memory_space<vmem>>, vector<1x16xf32>,
        %mul3A_167 = arith.constant 8 : i32
        %mul3A_168 = arith.muli %scan3A_78, %mul3A_167 : i32
        %add3A_169 = arith.constant 5 : i32
        %add3A_170 = arith.addi %mul3A_168, %add3A_169 : i32
        %get3A_171 = arith.index_cast %add3A_170 : i32 to index
        %get3A_172 = arith.constant 0 : index
        %get3A_173 = tpu.vector_load %arg10[%get3A_171, %get3A_172] {strides = array<i32>} : memref<1600x16xf32, #tpu.memory_space<vmem>>, vector<1x16xf32>,
        %get3A_174 = vector.shape_cast %get3A_173 : vector<1x16xf32> to vector<16xf32>
        %get3A_175 = arith.index_cast %add3A_170 : i32 to index
        %get3A_176 = arith.constant 0 : index
        %get3A_177 = tpu.vector_load %arg12[%get3A_175, %get3A_176] {strides = array<i32>} : memref<1600x16xf32, #tpu.memory_space<vmem>>, vector<1x16xf32>,
        %get3A_178 = vector.shape_cast %get3A_177 : vector<1x16xf32> to vector<16xf32>
        %add3A_179 = arith.addf %get3A_174, %get3A_178 : vector<16xf32>
        %swap3A_180 = arith.index_cast %add3A_170 : i32 to index
        %swap3A_181 = arith.constant 0 : index
        %swap3A_182 = tpu.vector_load %arg10[%swap3A_180, %swap3A_181] {strides = array<i32>} : memref<1600x16xf32, #tpu.memory_space<vmem>>, vector<1x16xf32>,
        %swap3A_183 = vector.shape_cast %swap3A_182 : vector<1x16xf32> to vector<16xf32>
        %swap3A_184 = vector.shape_cast %add3A_179 : vector<16xf32> to vector<1x16xf32>
        tpu.vector_store %arg10[%swap3A_180, %swap3A_181], %swap3A_184 {strides = array<i32>} : memref<1600x16xf32, #tpu.memory_space<vmem>>, vector<1x16xf32>,
        %mul3A_185 = arith.constant 8 : i32
        %mul3A_186 = arith.muli %scan3A_78, %mul3A_185 : i32
        %add3A_187 = arith.constant 6 : i32
        %add3A_188 = arith.addi %mul3A_186, %add3A_187 : i32
        %get3A_189 = arith.index_cast %add3A_188 : i32 to index
        %get3A_190 = arith.constant 0 : index
        %get3A_191 = tpu.vector_load %arg10[%get3A_189, %get3A_190] {strides = array<i32>} : memref<1600x16xf32, #tpu.memory_space<vmem>>, vector<1x16xf32>,
        %get3A_192 = vector.shape_cast %get3A_191 : vector<1x16xf32> to vector<16xf32>
        %get3A_193 = arith.index_cast %add3A_188 : i32 to index
        %get3A_194 = arith.constant 0 : index
        %get3A_195 = tpu.vector_load %arg12[%get3A_193, %get3A_194] {strides = array<i32>} : memref<1600x16xf32, #tpu.memory_space<vmem>>, vector<1x16xf32>,
        %get3A_196 = vector.shape_cast %get3A_195 : vector<1x16xf32> to vector<16xf32>
        %add3A_197 = arith.addf %get3A_192, %get3A_196 : vector<16xf32>
        %swap3A_198 = arith.index_cast %add3A_188 : i32 to index
        %swap3A_199 = arith.constant 0 : index
        %swap3A_200 = tpu.vector_load %arg10[%swap3A_198, %swap3A_199] {strides = array<i32>} : memref<1600x16xf32, #tpu.memory_space<vmem>>, vector<1x16xf32>,
        %swap3A_201 = vector.shape_cast %swap3A_200 : vector<1x16xf32> to vector<16xf32>
        %swap3A_202 = vector.shape_cast %add3A_197 : vector<16xf32> to vector<1x16xf32>
        tpu.vector_store %arg10[%swap3A_198, %swap3A_199], %swap3A_202 {strides = array<i32>} : memref<1600x16xf32, #tpu.memory_space<vmem>>, vector<1x16xf32>,
        %mul3A_203 = arith.constant 8 : i32
        %mul3A_204 = arith.muli %scan3A_78, %mul3A_203 : i32
        %add3A_205 = arith.constant 7 : i32
        %add3A_206 = arith.addi %mul3A_204, %add3A_205 : i32
        %get3A_207 = arith.index_cast %add3A_206 : i32 to index
        %get3A_208 = arith.constant 0 : index
        %get3A_209 = tpu.vector_load %arg10[%get3A_207, %get3A_208] {strides = array<i32>} : memref<1600x16xf32, #tpu.memory_space<vmem>>, vector<1x16xf32>,
        %get3A_210 = vector.shape_cast %get3A_209 : vector<1x16xf32> to vector<16xf32>
        %get3A_211 = arith.index_cast %add3A_206 : i32 to index
        %get3A_212 = arith.constant 0 : index
        %get3A_213 = tpu.vector_load %arg12[%get3A_211, %get3A_212] {strides = array<i32>} : memref<1600x16xf32, #tpu.memory_space<vmem>>, vector<1x16xf32>,
        %get3A_214 = vector.shape_cast %get3A_213 : vector<1x16xf32> to vector<16xf32>
        %add3A_215 = arith.addf %get3A_210, %get3A_214 : vector<16xf32>
        %swap3A_216 = arith.index_cast %add3A_206 : i32 to index
        %swap3A_217 = arith.constant 0 : index
        %swap3A_218 = tpu.vector_load %arg10[%swap3A_216, %swap3A_217] {strides = array<i32>} : memref<1600x16xf32, #tpu.memory_space<vmem>>, vector<1x16xf32>,
        %swap3A_219 = vector.shape_cast %swap3A_218 : vector<1x16xf32> to vector<16xf32>
        %swap3A_220 = vector.shape_cast %add3A_215 : vector<16xf32> to vector<1x16xf32>
        tpu.vector_store %arg10[%swap3A_216, %swap3A_217], %swap3A_220 {strides = array<i32>} : memref<1600x16xf32, #tpu.memory_space<vmem>>, vector<1x16xf32>,
      }
      %scan3A_73 = arith.constant 200 : i32
      %dma_start3A_74 = arith.constant 0 : i32
      %dma_start3A_75 = tpu.memref_slice %arg4[%add3A_54, %dma_start3A_74] : memref<1638400x16xf32, #tpu.memory_space<hbm>> -> memref<1600x16xf32, #tpu.memory_space<hbm>>
      %dma_start3A_76 = arith.constant 0 : i32
      %dma_start3A_77 = tpu.memref_slice %arg4[%add3A_54, %dma_start3A_76] : memref<1638400x16xf32, #tpu.memory_space<hbm>> -> memref<1600x16xf32, #tpu.memory_space<hbm>>
      tpu.enqueue_dma source(%arg10 : memref<1600x16xf32, #tpu.memory_space<vmem>>) target(%dma_start3A_77 : memref<1600x16xf32, #tpu.memory_space<hbm>>) target_semaphore(%arg16 : memref<!tpu.dma_semaphore, #tpu.memory_space<semaphore_mem>>)
    }
    %scan3A_14 = arith.constant 16 : i32
    %add3A_15 = arith.constant 49600 : i32
    %add3A_16 = arith.addi %mul3A_2, %add3A_15 : i32
    %dma_wait3A = arith.constant 0 : i32
    %dma_wait3A_17 = tpu.memref_slice %arg4[%add3A_16, %dma_wait3A] : memref<1638400x16xf32, #tpu.memory_space<hbm>> -> memref<1600x16xf32, #tpu.memory_space<hbm>>
    %dma_wait3A_18 = arith.constant 0 : i32
    %dma_wait3A_19 = tpu.memref_slice %arg4[%add3A_16, %dma_wait3A_18] : memref<1638400x16xf32, #tpu.memory_space<hbm>> -> memref<1600x16xf32, #tpu.memory_space<hbm>>
    tpu.wait_dma2 semaphore(%arg16 : memref<!tpu.dma_semaphore, #tpu.memory_space<semaphore_mem>>) src(%arg10 : memref<1600x16xf32, #tpu.memory_space<vmem>>) dst(%dma_wait3A_19 : memref<1600x16xf32, #tpu.memory_space<hbm>>)
    return
  }
}

module attributes {stable_mosaic.version = 14 : i64} {
  func.func @_edge_body(%arg0: i32, %arg1: memref<1024x128xf32, #tpu.memory_space<vmem>>, %arg2: memref<1024x128xf32, #tpu.memory_space<vmem>>, %arg3: memref<3x128x128xf32, #tpu.memory_space<vmem>>, %arg4: memref<3x128x128xf32, #tpu.memory_space<vmem>>, %arg5: memref<3x128xf32, #tpu.memory_space<vmem>>, %arg6: memref<1024x128xf32, #tpu.memory_space<vmem>>) attributes {dimension_semantics = [#tpu.dimension_semantics<arbitrary>], iteration_bounds = array<i64: 200>, scalar_prefetch = 0 : i64, scratch_operands = 0 : i64, tpu.core_type = #tpu.core_type<tc>, window_params = [{transform_indices = @transform_0, window_bounds = array<i64: 1024, 128>}, {transform_indices = @transform_1, window_bounds = array<i64: 1024, 128>}, {pipeline_mode = #tpu.pipeline_mode<synchronous>, transform_indices = @transform_2, window_bounds = array<i64: 3, 128, 128>}, {pipeline_mode = #tpu.pipeline_mode<synchronous>, transform_indices = @transform_3, window_bounds = array<i64: 3, 128, 128>}, {pipeline_mode = #tpu.pipeline_mode<synchronous>, transform_indices = @transform_4, window_bounds = array<i64: 3, 128>}, {transform_indices = @transform_5, window_bounds = array<i64: 1024, 128>}]} {
    %get3A = arith.constant 0 : index
    %get3A_0 = arith.constant 0 : index
    %get3A_1 = vector.load %arg1[%get3A, %get3A_0] : memref<1024x128xf32, #tpu.memory_space<vmem>>, vector<1024x128xf32>
    %get3A_2 = arith.constant 0 : index
    %get3A_3 = arith.constant 0 : index
    %get3A_4 = vector.load %arg2[%get3A_2, %get3A_3] : memref<1024x128xf32, #tpu.memory_space<vmem>>, vector<1024x128xf32>
    %get3A_5 = arith.constant 0 : index
    %get3A_6 = arith.constant 0 : index
    %get3A_7 = arith.constant 0 : index
    %get3A_8 = vector.load %arg3[%get3A_5, %get3A_6, %get3A_7] : memref<3x128x128xf32, #tpu.memory_space<vmem>>, vector<1x128x128xf32>
    %get3A_9 = vector.shape_cast %get3A_8 : vector<1x128x128xf32> to vector<128x128xf32>
    %dot_general3A = arith.constant dense<0.000000e+00> : vector<1024x128xf32>
    %dot_general3A_10 = tpu.matmul %get3A_1, %get3A_9, %dot_general3A {dimension_numbers = #tpu.dot_dimension_numbers<[1], [0], [0], [1], [0, 0, 1, 1], [], []>, transpose_lhs_hint = false} : vector<1024x128xf32>, vector<128x128xf32>, vector<1024x128xf32> -> vector<1024x128xf32>
    %get3A_11 = arith.constant 0 : index
    %get3A_12 = arith.constant 0 : index
    %get3A_13 = arith.constant 0 : index
    %get3A_14 = vector.load %arg4[%get3A_11, %get3A_12, %get3A_13] : memref<3x128x128xf32, #tpu.memory_space<vmem>>, vector<1x128x128xf32>
    %get3A_15 = vector.shape_cast %get3A_14 : vector<1x128x128xf32> to vector<128x128xf32>
    %dot_general3A_16 = arith.constant dense<0.000000e+00> : vector<1024x128xf32>
    %dot_general3A_17 = tpu.matmul %get3A_4, %get3A_15, %dot_general3A_16 {dimension_numbers = #tpu.dot_dimension_numbers<[1], [0], [0], [1], [0, 0, 1, 1], [], []>, transpose_lhs_hint = false} : vector<1024x128xf32>, vector<128x128xf32>, vector<1024x128xf32> -> vector<1024x128xf32>
    %add3A = arith.addf %dot_general3A_10, %dot_general3A_17 : vector<1024x128xf32>
    %get3A_18 = arith.constant 0 : index
    %get3A_19 = arith.constant 0 : index
    %get3A_20 = vector.load %arg5[%get3A_18, %get3A_19] : memref<3x128xf32, #tpu.memory_space<vmem>>, vector<1x128xf32>
    %get3A_21 = vector.shape_cast %get3A_20 : vector<1x128xf32> to vector<128xf32>
    %broadcast_in_dim3A = vector.shape_cast %get3A_21 : vector<128xf32> to vector<1x128xf32>
    %add3A_22 = vector.broadcast %broadcast_in_dim3A : vector<1x128xf32> to vector<1024x128xf32>
    %add3A_23 = arith.addf %add3A, %add3A_22 : vector<1024x128xf32>
    %get3A_24 = arith.constant 1 : index
    %get3A_25 = arith.constant 0 : index
    %get3A_26 = arith.constant 0 : index
    %get3A_27 = vector.load %arg3[%get3A_24, %get3A_25, %get3A_26] : memref<3x128x128xf32, #tpu.memory_space<vmem>>, vector<1x128x128xf32>
    %get3A_28 = vector.shape_cast %get3A_27 : vector<1x128x128xf32> to vector<128x128xf32>
    %dot_general3A_29 = arith.constant dense<0.000000e+00> : vector<1024x128xf32>
    %dot_general3A_30 = tpu.matmul %get3A_1, %get3A_28, %dot_general3A_29 {dimension_numbers = #tpu.dot_dimension_numbers<[1], [0], [0], [1], [0, 0, 1, 1], [], []>, transpose_lhs_hint = false} : vector<1024x128xf32>, vector<128x128xf32>, vector<1024x128xf32> -> vector<1024x128xf32>
    %get3A_31 = arith.constant 1 : index
    %get3A_32 = arith.constant 0 : index
    %get3A_33 = arith.constant 0 : index
    %get3A_34 = vector.load %arg4[%get3A_31, %get3A_32, %get3A_33] : memref<3x128x128xf32, #tpu.memory_space<vmem>>, vector<1x128x128xf32>
    %get3A_35 = vector.shape_cast %get3A_34 : vector<1x128x128xf32> to vector<128x128xf32>
    %dot_general3A_36 = arith.constant dense<0.000000e+00> : vector<1024x128xf32>
    %dot_general3A_37 = tpu.matmul %get3A_4, %get3A_35, %dot_general3A_36 {dimension_numbers = #tpu.dot_dimension_numbers<[1], [0], [0], [1], [0, 0, 1, 1], [], []>, transpose_lhs_hint = false} : vector<1024x128xf32>, vector<128x128xf32>, vector<1024x128xf32> -> vector<1024x128xf32>
    %add3A_38 = arith.addf %dot_general3A_30, %dot_general3A_37 : vector<1024x128xf32>
    %get3A_39 = arith.constant 1 : index
    %get3A_40 = arith.constant 0 : index
    %get3A_41 = vector.load %arg5[%get3A_39, %get3A_40] : memref<3x128xf32, #tpu.memory_space<vmem>>, vector<1x128xf32>
    %get3A_42 = vector.shape_cast %get3A_41 : vector<1x128xf32> to vector<128xf32>
    %broadcast_in_dim3A_43 = vector.shape_cast %get3A_42 : vector<128xf32> to vector<1x128xf32>
    %add3A_44 = vector.broadcast %broadcast_in_dim3A_43 : vector<1x128xf32> to vector<1024x128xf32>
    %add3A_45 = arith.addf %add3A_38, %add3A_44 : vector<1024x128xf32>
    %max3A = arith.maximumf %add3A_23, %add3A_45 : vector<1024x128xf32>
    %get3A_46 = arith.constant 2 : index
    %get3A_47 = arith.constant 0 : index
    %get3A_48 = arith.constant 0 : index
    %get3A_49 = vector.load %arg3[%get3A_46, %get3A_47, %get3A_48] : memref<3x128x128xf32, #tpu.memory_space<vmem>>, vector<1x128x128xf32>
    %get3A_50 = vector.shape_cast %get3A_49 : vector<1x128x128xf32> to vector<128x128xf32>
    %dot_general3A_51 = arith.constant dense<0.000000e+00> : vector<1024x128xf32>
    %dot_general3A_52 = tpu.matmul %get3A_1, %get3A_50, %dot_general3A_51 {dimension_numbers = #tpu.dot_dimension_numbers<[1], [0], [0], [1], [0, 0, 1, 1], [], []>, transpose_lhs_hint = false} : vector<1024x128xf32>, vector<128x128xf32>, vector<1024x128xf32> -> vector<1024x128xf32>
    %get3A_53 = arith.constant 2 : index
    %get3A_54 = arith.constant 0 : index
    %get3A_55 = arith.constant 0 : index
    %get3A_56 = vector.load %arg4[%get3A_53, %get3A_54, %get3A_55] : memref<3x128x128xf32, #tpu.memory_space<vmem>>, vector<1x128x128xf32>
    %get3A_57 = vector.shape_cast %get3A_56 : vector<1x128x128xf32> to vector<128x128xf32>
    %dot_general3A_58 = arith.constant dense<0.000000e+00> : vector<1024x128xf32>
    %dot_general3A_59 = tpu.matmul %get3A_4, %get3A_57, %dot_general3A_58 {dimension_numbers = #tpu.dot_dimension_numbers<[1], [0], [0], [1], [0, 0, 1, 1], [], []>, transpose_lhs_hint = false} : vector<1024x128xf32>, vector<128x128xf32>, vector<1024x128xf32> -> vector<1024x128xf32>
    %add3A_60 = arith.addf %dot_general3A_52, %dot_general3A_59 : vector<1024x128xf32>
    %get3A_61 = arith.constant 2 : index
    %get3A_62 = arith.constant 0 : index
    %get3A_63 = vector.load %arg5[%get3A_61, %get3A_62] : memref<3x128xf32, #tpu.memory_space<vmem>>, vector<1x128xf32>
    %get3A_64 = vector.shape_cast %get3A_63 : vector<1x128xf32> to vector<128xf32>
    %broadcast_in_dim3A_65 = vector.shape_cast %get3A_64 : vector<128xf32> to vector<1x128xf32>
    %add3A_66 = vector.broadcast %broadcast_in_dim3A_65 : vector<1x128xf32> to vector<1024x128xf32>
    %add3A_67 = arith.addf %add3A_60, %add3A_66 : vector<1024x128xf32>
    %max3A_68 = arith.maximumf %max3A, %add3A_67 : vector<1024x128xf32>
    %max3A_69 = arith.constant 0.000000e+00 : f32
    %max3A_70 = vector.broadcast %max3A_69 : f32 to vector<1024x128xf32>
    %max3A_71 = arith.maximumf %max3A_68, %max3A_70 : vector<1024x128xf32>
    %swap3A = arith.constant 0 : index
    %swap3A_72 = arith.constant 0 : index
    %swap3A_73 = vector.load %arg6[%swap3A, %swap3A_72] : memref<1024x128xf32, #tpu.memory_space<vmem>>, vector<1024x128xf32>
    tpu.vector_store %arg6[%swap3A, %swap3A_72], %max3A_71 {strides = array<i32>} : memref<1024x128xf32, #tpu.memory_space<vmem>>, vector<1024x128xf32>,
    return
  }
  func.func @transform_0(%arg0: i32) -> (i32, i32) {
    %c0_i32 = arith.constant 0 : i32
    %c0_i32_0 = arith.constant 0 : i32
    return %arg0, %c0_i32 : i32, i32
  }
  func.func @transform_1(%arg0: i32) -> (i32, i32) {
    %c0_i32 = arith.constant 0 : i32
    %c0_i32_0 = arith.constant 0 : i32
    return %arg0, %c0_i32 : i32, i32
  }
  func.func @transform_2(%arg0: i32) -> (i32, i32, i32) {
    %c0_i32 = arith.constant 0 : i32
    %c0_i32_0 = arith.constant 0 : i32
    %c0_i32_1 = arith.constant 0 : i32
    %c0_i32_2 = arith.constant 0 : i32
    return %c0_i32, %c0_i32_0, %c0_i32_1 : i32, i32, i32
  }
  func.func @transform_3(%arg0: i32) -> (i32, i32, i32) {
    %c0_i32 = arith.constant 0 : i32
    %c0_i32_0 = arith.constant 0 : i32
    %c0_i32_1 = arith.constant 0 : i32
    %c0_i32_2 = arith.constant 0 : i32
    return %c0_i32, %c0_i32_0, %c0_i32_1 : i32, i32, i32
  }
  func.func @transform_4(%arg0: i32) -> (i32, i32) {
    %c0_i32 = arith.constant 0 : i32
    %c0_i32_0 = arith.constant 0 : i32
    %c0_i32_1 = arith.constant 0 : i32
    return %c0_i32, %c0_i32_0 : i32, i32
  }
  func.func @transform_5(%arg0: i32) -> (i32, i32) {
    %c0_i32 = arith.constant 0 : i32
    %c0_i32_0 = arith.constant 0 : i32
    return %arg0, %c0_i32 : i32, i32
  }
}

module attributes {stable_mosaic.version = 14 : i64} {
  func.func @_node_body(%arg0: i32, %arg1: memref<256x128xf32, #tpu.memory_space<vmem>>, %arg2: memref<256x128xf32, #tpu.memory_space<vmem>>, %arg3: memref<3x128x128xf32, #tpu.memory_space<vmem>>, %arg4: memref<3x128x128xf32, #tpu.memory_space<vmem>>, %arg5: memref<3x128xf32, #tpu.memory_space<vmem>>, %arg6: memref<256x128xf32, #tpu.memory_space<vmem>>) attributes {dimension_semantics = [#tpu.dimension_semantics<arbitrary>], iteration_bounds = array<i64: 49>, scalar_prefetch = 0 : i64, scratch_operands = 0 : i64, tpu.core_type = #tpu.core_type<tc>, window_params = [{transform_indices = @transform_0, window_bounds = array<i64: 256, 128>}, {transform_indices = @transform_1, window_bounds = array<i64: 256, 128>}, {pipeline_mode = #tpu.pipeline_mode<synchronous>, transform_indices = @transform_2, window_bounds = array<i64: 3, 128, 128>}, {pipeline_mode = #tpu.pipeline_mode<synchronous>, transform_indices = @transform_3, window_bounds = array<i64: 3, 128, 128>}, {pipeline_mode = #tpu.pipeline_mode<synchronous>, transform_indices = @transform_4, window_bounds = array<i64: 3, 128>}, {transform_indices = @transform_5, window_bounds = array<i64: 256, 128>}]} {
    %get3A = arith.constant 0 : index
    %get3A_0 = arith.constant 0 : index
    %get3A_1 = vector.load %arg1[%get3A, %get3A_0] : memref<256x128xf32, #tpu.memory_space<vmem>>, vector<256x128xf32>
    %get3A_2 = arith.constant 0 : index
    %get3A_3 = arith.constant 0 : index
    %get3A_4 = vector.load %arg2[%get3A_2, %get3A_3] : memref<256x128xf32, #tpu.memory_space<vmem>>, vector<256x128xf32>
    %get3A_5 = arith.constant 0 : index
    %get3A_6 = arith.constant 0 : index
    %get3A_7 = arith.constant 0 : index
    %get3A_8 = vector.load %arg3[%get3A_5, %get3A_6, %get3A_7] : memref<3x128x128xf32, #tpu.memory_space<vmem>>, vector<1x128x128xf32>
    %get3A_9 = vector.shape_cast %get3A_8 : vector<1x128x128xf32> to vector<128x128xf32>
    %dot_general3A = arith.constant dense<0.000000e+00> : vector<256x128xf32>
    %dot_general3A_10 = tpu.matmul %get3A_1, %get3A_9, %dot_general3A {dimension_numbers = #tpu.dot_dimension_numbers<[1], [0], [0], [1], [0, 0, 1, 1], [], []>, transpose_lhs_hint = false} : vector<256x128xf32>, vector<128x128xf32>, vector<256x128xf32> -> vector<256x128xf32>
    %get3A_11 = arith.constant 0 : index
    %get3A_12 = arith.constant 0 : index
    %get3A_13 = arith.constant 0 : index
    %get3A_14 = vector.load %arg4[%get3A_11, %get3A_12, %get3A_13] : memref<3x128x128xf32, #tpu.memory_space<vmem>>, vector<1x128x128xf32>
    %get3A_15 = vector.shape_cast %get3A_14 : vector<1x128x128xf32> to vector<128x128xf32>
    %dot_general3A_16 = arith.constant dense<0.000000e+00> : vector<256x128xf32>
    %dot_general3A_17 = tpu.matmul %get3A_4, %get3A_15, %dot_general3A_16 {dimension_numbers = #tpu.dot_dimension_numbers<[1], [0], [0], [1], [0, 0, 1, 1], [], []>, transpose_lhs_hint = false} : vector<256x128xf32>, vector<128x128xf32>, vector<256x128xf32> -> vector<256x128xf32>
    %add3A = arith.addf %dot_general3A_10, %dot_general3A_17 : vector<256x128xf32>
    %get3A_18 = arith.constant 0 : index
    %get3A_19 = arith.constant 0 : index
    %get3A_20 = vector.load %arg5[%get3A_18, %get3A_19] : memref<3x128xf32, #tpu.memory_space<vmem>>, vector<1x128xf32>
    %get3A_21 = vector.shape_cast %get3A_20 : vector<1x128xf32> to vector<128xf32>
    %broadcast_in_dim3A = vector.shape_cast %get3A_21 : vector<128xf32> to vector<1x128xf32>
    %add3A_22 = vector.broadcast %broadcast_in_dim3A : vector<1x128xf32> to vector<256x128xf32>
    %add3A_23 = arith.addf %add3A, %add3A_22 : vector<256x128xf32>
    %get3A_24 = arith.constant 1 : index
    %get3A_25 = arith.constant 0 : index
    %get3A_26 = arith.constant 0 : index
    %get3A_27 = vector.load %arg3[%get3A_24, %get3A_25, %get3A_26] : memref<3x128x128xf32, #tpu.memory_space<vmem>>, vector<1x128x128xf32>
    %get3A_28 = vector.shape_cast %get3A_27 : vector<1x128x128xf32> to vector<128x128xf32>
    %dot_general3A_29 = arith.constant dense<0.000000e+00> : vector<256x128xf32>
    %dot_general3A_30 = tpu.matmul %get3A_1, %get3A_28, %dot_general3A_29 {dimension_numbers = #tpu.dot_dimension_numbers<[1], [0], [0], [1], [0, 0, 1, 1], [], []>, transpose_lhs_hint = false} : vector<256x128xf32>, vector<128x128xf32>, vector<256x128xf32> -> vector<256x128xf32>
    %get3A_31 = arith.constant 1 : index
    %get3A_32 = arith.constant 0 : index
    %get3A_33 = arith.constant 0 : index
    %get3A_34 = vector.load %arg4[%get3A_31, %get3A_32, %get3A_33] : memref<3x128x128xf32, #tpu.memory_space<vmem>>, vector<1x128x128xf32>
    %get3A_35 = vector.shape_cast %get3A_34 : vector<1x128x128xf32> to vector<128x128xf32>
    %dot_general3A_36 = arith.constant dense<0.000000e+00> : vector<256x128xf32>
    %dot_general3A_37 = tpu.matmul %get3A_4, %get3A_35, %dot_general3A_36 {dimension_numbers = #tpu.dot_dimension_numbers<[1], [0], [0], [1], [0, 0, 1, 1], [], []>, transpose_lhs_hint = false} : vector<256x128xf32>, vector<128x128xf32>, vector<256x128xf32> -> vector<256x128xf32>
    %add3A_38 = arith.addf %dot_general3A_30, %dot_general3A_37 : vector<256x128xf32>
    %get3A_39 = arith.constant 1 : index
    %get3A_40 = arith.constant 0 : index
    %get3A_41 = vector.load %arg5[%get3A_39, %get3A_40] : memref<3x128xf32, #tpu.memory_space<vmem>>, vector<1x128xf32>
    %get3A_42 = vector.shape_cast %get3A_41 : vector<1x128xf32> to vector<128xf32>
    %broadcast_in_dim3A_43 = vector.shape_cast %get3A_42 : vector<128xf32> to vector<1x128xf32>
    %add3A_44 = vector.broadcast %broadcast_in_dim3A_43 : vector<1x128xf32> to vector<256x128xf32>
    %add3A_45 = arith.addf %add3A_38, %add3A_44 : vector<256x128xf32>
    %max3A = arith.maximumf %add3A_23, %add3A_45 : vector<256x128xf32>
    %get3A_46 = arith.constant 2 : index
    %get3A_47 = arith.constant 0 : index
    %get3A_48 = arith.constant 0 : index
    %get3A_49 = vector.load %arg3[%get3A_46, %get3A_47, %get3A_48] : memref<3x128x128xf32, #tpu.memory_space<vmem>>, vector<1x128x128xf32>
    %get3A_50 = vector.shape_cast %get3A_49 : vector<1x128x128xf32> to vector<128x128xf32>
    %dot_general3A_51 = arith.constant dense<0.000000e+00> : vector<256x128xf32>
    %dot_general3A_52 = tpu.matmul %get3A_1, %get3A_50, %dot_general3A_51 {dimension_numbers = #tpu.dot_dimension_numbers<[1], [0], [0], [1], [0, 0, 1, 1], [], []>, transpose_lhs_hint = false} : vector<256x128xf32>, vector<128x128xf32>, vector<256x128xf32> -> vector<256x128xf32>
    %get3A_53 = arith.constant 2 : index
    %get3A_54 = arith.constant 0 : index
    %get3A_55 = arith.constant 0 : index
    %get3A_56 = vector.load %arg4[%get3A_53, %get3A_54, %get3A_55] : memref<3x128x128xf32, #tpu.memory_space<vmem>>, vector<1x128x128xf32>
    %get3A_57 = vector.shape_cast %get3A_56 : vector<1x128x128xf32> to vector<128x128xf32>
    %dot_general3A_58 = arith.constant dense<0.000000e+00> : vector<256x128xf32>
    %dot_general3A_59 = tpu.matmul %get3A_4, %get3A_57, %dot_general3A_58 {dimension_numbers = #tpu.dot_dimension_numbers<[1], [0], [0], [1], [0, 0, 1, 1], [], []>, transpose_lhs_hint = false} : vector<256x128xf32>, vector<128x128xf32>, vector<256x128xf32> -> vector<256x128xf32>
    %add3A_60 = arith.addf %dot_general3A_52, %dot_general3A_59 : vector<256x128xf32>
    %get3A_61 = arith.constant 2 : index
    %get3A_62 = arith.constant 0 : index
    %get3A_63 = vector.load %arg5[%get3A_61, %get3A_62] : memref<3x128xf32, #tpu.memory_space<vmem>>, vector<1x128xf32>
    %get3A_64 = vector.shape_cast %get3A_63 : vector<1x128xf32> to vector<128xf32>
    %broadcast_in_dim3A_65 = vector.shape_cast %get3A_64 : vector<128xf32> to vector<1x128xf32>
    %add3A_66 = vector.broadcast %broadcast_in_dim3A_65 : vector<1x128xf32> to vector<256x128xf32>
    %add3A_67 = arith.addf %add3A_60, %add3A_66 : vector<256x128xf32>
    %max3A_68 = arith.maximumf %max3A, %add3A_67 : vector<256x128xf32>
    %max3A_69 = arith.constant 0.000000e+00 : f32
    %max3A_70 = vector.broadcast %max3A_69 : f32 to vector<256x128xf32>
    %max3A_71 = arith.maximumf %max3A_68, %max3A_70 : vector<256x128xf32>
    %swap3A = arith.constant 0 : index
    %swap3A_72 = arith.constant 0 : index
    %swap3A_73 = vector.load %arg6[%swap3A, %swap3A_72] : memref<256x128xf32, #tpu.memory_space<vmem>>, vector<256x128xf32>
    tpu.vector_store %arg6[%swap3A, %swap3A_72], %max3A_71 {strides = array<i32>} : memref<256x128xf32, #tpu.memory_space<vmem>>, vector<256x128xf32>,
    return
  }
  func.func @transform_0(%arg0: i32) -> (i32, i32) {
    %c0_i32 = arith.constant 0 : i32
    %c0_i32_0 = arith.constant 0 : i32
    return %arg0, %c0_i32 : i32, i32
  }
  func.func @transform_1(%arg0: i32) -> (i32, i32) {
    %c0_i32 = arith.constant 0 : i32
    %c0_i32_0 = arith.constant 0 : i32
    return %arg0, %c0_i32 : i32, i32
  }
  func.func @transform_2(%arg0: i32) -> (i32, i32, i32) {
    %c0_i32 = arith.constant 0 : i32
    %c0_i32_0 = arith.constant 0 : i32
    %c0_i32_1 = arith.constant 0 : i32
    %c0_i32_2 = arith.constant 0 : i32
    return %c0_i32, %c0_i32_0, %c0_i32_1 : i32, i32, i32
  }
  func.func @transform_3(%arg0: i32) -> (i32, i32, i32) {
    %c0_i32 = arith.constant 0 : i32
    %c0_i32_0 = arith.constant 0 : i32
    %c0_i32_1 = arith.constant 0 : i32
    %c0_i32_2 = arith.constant 0 : i32
    return %c0_i32, %c0_i32_0, %c0_i32_1 : i32, i32, i32
  }
  func.func @transform_4(%arg0: i32) -> (i32, i32) {
    %c0_i32 = arith.constant 0 : i32
    %c0_i32_0 = arith.constant 0 : i32
    %c0_i32_1 = arith.constant 0 : i32
    return %c0_i32, %c0_i32_0 : i32, i32
  }
  func.func @transform_5(%arg0: i32) -> (i32, i32) {
    %c0_i32 = arith.constant 0 : i32
    %c0_i32_0 = arith.constant 0 : i32
    return %arg0, %c0_i32 : i32, i32
  }
}

module attributes {stable_mosaic.version = 14 : i64} {
  func.func @_mlp_body(%arg0: i32, %arg1: memref<2048x16xf32, #tpu.memory_space<vmem>>, %arg2: memref<16x128xf32, #tpu.memory_space<vmem>>, %arg3: memref<1x128xf32, #tpu.memory_space<vmem>>, %arg4: memref<128x256xf32, #tpu.memory_space<vmem>>, %arg5: memref<1x256xf32, #tpu.memory_space<vmem>>, %arg6: memref<256x128xf32, #tpu.memory_space<vmem>>, %arg7: memref<1x128xf32, #tpu.memory_space<vmem>>, %arg8: memref<128x128xf32, #tpu.memory_space<vmem>>, %arg9: memref<1x128xf32, #tpu.memory_space<vmem>>, %arg10: memref<128x8xf32, #tpu.memory_space<vmem>>, %arg11: memref<1x8xf32, #tpu.memory_space<vmem>>, %arg12: memref<2048x8xf32, #tpu.memory_space<vmem>>) attributes {dimension_semantics = [#tpu.dimension_semantics<arbitrary>], iteration_bounds = array<i64: 49>, scalar_prefetch = 0 : i64, scratch_operands = 0 : i64, tpu.core_type = #tpu.core_type<tc>, window_params = [{transform_indices = @transform_0, window_bounds = array<i64: 2048, 16>}, {pipeline_mode = #tpu.pipeline_mode<synchronous>, transform_indices = @transform_1, window_bounds = array<i64: 16, 128>}, {pipeline_mode = #tpu.pipeline_mode<synchronous>, transform_indices = @transform_2, window_bounds = array<i64: 1, 128>}, {pipeline_mode = #tpu.pipeline_mode<synchronous>, transform_indices = @transform_3, window_bounds = array<i64: 128, 256>}, {pipeline_mode = #tpu.pipeline_mode<synchronous>, transform_indices = @transform_4, window_bounds = array<i64: 1, 256>}, {pipeline_mode = #tpu.pipeline_mode<synchronous>, transform_indices = @transform_5, window_bounds = array<i64: 256, 128>}, {pipeline_mode = #tpu.pipeline_mode<synchronous>, transform_indices = @transform_6, window_bounds = array<i64: 1, 128>}, {pipeline_mode = #tpu.pipeline_mode<synchronous>, transform_indices = @transform_7, window_bounds = array<i64: 128, 128>}, {pipeline_mode = #tpu.pipeline_mode<synchronous>, transform_indices = @transform_8, window_bounds = array<i64: 1, 128>}, {pipeline_mode = #tpu.pipeline_mode<synchronous>, transform_indices = @transform_9, window_bounds = array<i64: 128, 8>}, {pipeline_mode = #tpu.pipeline_mode<synchronous>, transform_indices = @transform_10, window_bounds = array<i64: 1, 8>}, {transform_indices = @transform_11, window_bounds = array<i64: 2048, 8>}]} {
    %get3A = arith.constant 0 : index
    %get3A_0 = arith.constant 0 : index
    %get3A_1 = vector.load %arg1[%get3A, %get3A_0] : memref<2048x16xf32, #tpu.memory_space<vmem>>, vector<2048x16xf32>
    %get3A_2 = arith.constant 0 : index
    %get3A_3 = arith.constant 0 : index
    %get3A_4 = vector.load %arg2[%get3A_2, %get3A_3] : memref<16x128xf32, #tpu.memory_space<vmem>>, vector<16x128xf32>
    %dot_general3A = arith.constant dense<0.000000e+00> : vector<2048x128xf32>
    %dot_general3A_5 = tpu.matmul %get3A_1, %get3A_4, %dot_general3A {dimension_numbers = #tpu.dot_dimension_numbers<[1], [0], [0], [1], [0, 0, 1, 1], [], []>, transpose_lhs_hint = false} : vector<2048x16xf32>, vector<16x128xf32>, vector<2048x128xf32> -> vector<2048x128xf32>
    %get3A_6 = arith.constant 0 : index
    %get3A_7 = arith.constant 0 : index
    %get3A_8 = vector.load %arg3[%get3A_6, %get3A_7] : memref<1x128xf32, #tpu.memory_space<vmem>>, vector<1x128xf32>
    %add3A = vector.broadcast %get3A_8 : vector<1x128xf32> to vector<2048x128xf32>
    %add3A_9 = arith.addf %dot_general3A_5, %add3A : vector<2048x128xf32>
    %max3A = arith.constant 0.000000e+00 : f32
    %max3A_10 = vector.broadcast %max3A : f32 to vector<2048x128xf32>
    %max3A_11 = arith.maximumf %add3A_9, %max3A_10 : vector<2048x128xf32>
    %get3A_12 = arith.constant 0 : index
    %get3A_13 = arith.constant 0 : index
    %get3A_14 = vector.load %arg4[%get3A_12, %get3A_13] : memref<128x256xf32, #tpu.memory_space<vmem>>, vector<128x256xf32>
    %dot_general3A_15 = arith.constant dense<0.000000e+00> : vector<2048x256xf32>
    %dot_general3A_16 = tpu.matmul %max3A_11, %get3A_14, %dot_general3A_15 {dimension_numbers = #tpu.dot_dimension_numbers<[1], [0], [0], [1], [0, 0, 1, 1], [], []>, transpose_lhs_hint = false} : vector<2048x128xf32>, vector<128x256xf32>, vector<2048x256xf32> -> vector<2048x256xf32>
    %get3A_17 = arith.constant 0 : index
    %get3A_18 = arith.constant 0 : index
    %get3A_19 = vector.load %arg5[%get3A_17, %get3A_18] : memref<1x256xf32, #tpu.memory_space<vmem>>, vector<1x256xf32>
    %add3A_20 = vector.broadcast %get3A_19 : vector<1x256xf32> to vector<2048x256xf32>
    %add3A_21 = arith.addf %dot_general3A_16, %add3A_20 : vector<2048x256xf32>
    %max3A_22 = arith.constant 0.000000e+00 : f32
    %max3A_23 = vector.broadcast %max3A_22 : f32 to vector<2048x256xf32>
    %max3A_24 = arith.maximumf %add3A_21, %max3A_23 : vector<2048x256xf32>
    %get3A_25 = arith.constant 0 : index
    %get3A_26 = arith.constant 0 : index
    %get3A_27 = vector.load %arg6[%get3A_25, %get3A_26] : memref<256x128xf32, #tpu.memory_space<vmem>>, vector<256x128xf32>
    %dot_general3A_28 = arith.constant dense<0.000000e+00> : vector<2048x128xf32>
    %dot_general3A_29 = tpu.matmul %max3A_24, %get3A_27, %dot_general3A_28 {dimension_numbers = #tpu.dot_dimension_numbers<[1], [0], [0], [1], [0, 0, 1, 1], [], []>, transpose_lhs_hint = false} : vector<2048x256xf32>, vector<256x128xf32>, vector<2048x128xf32> -> vector<2048x128xf32>
    %get3A_30 = arith.constant 0 : index
    %get3A_31 = arith.constant 0 : index
    %get3A_32 = vector.load %arg7[%get3A_30, %get3A_31] : memref<1x128xf32, #tpu.memory_space<vmem>>, vector<1x128xf32>
    %add3A_33 = vector.broadcast %get3A_32 : vector<1x128xf32> to vector<2048x128xf32>
    %add3A_34 = arith.addf %dot_general3A_29, %add3A_33 : vector<2048x128xf32>
    %max3A_35 = arith.constant 0.000000e+00 : f32
    %max3A_36 = vector.broadcast %max3A_35 : f32 to vector<2048x128xf32>
    %max3A_37 = arith.maximumf %add3A_34, %max3A_36 : vector<2048x128xf32>
    %get3A_38 = arith.constant 0 : index
    %get3A_39 = arith.constant 0 : index
    %get3A_40 = vector.load %arg8[%get3A_38, %get3A_39] : memref<128x128xf32, #tpu.memory_space<vmem>>, vector<128x128xf32>
    %dot_general3A_41 = arith.constant dense<0.000000e+00> : vector<2048x128xf32>
    %dot_general3A_42 = tpu.matmul %max3A_37, %get3A_40, %dot_general3A_41 {dimension_numbers = #tpu.dot_dimension_numbers<[1], [0], [0], [1], [0, 0, 1, 1], [], []>, transpose_lhs_hint = false} : vector<2048x128xf32>, vector<128x128xf32>, vector<2048x128xf32> -> vector<2048x128xf32>
    %get3A_43 = arith.constant 0 : index
    %get3A_44 = arith.constant 0 : index
    %get3A_45 = vector.load %arg9[%get3A_43, %get3A_44] : memref<1x128xf32, #tpu.memory_space<vmem>>, vector<1x128xf32>
    %add3A_46 = vector.broadcast %get3A_45 : vector<1x128xf32> to vector<2048x128xf32>
    %add3A_47 = arith.addf %dot_general3A_42, %add3A_46 : vector<2048x128xf32>
    %max3A_48 = arith.constant 0.000000e+00 : f32
    %max3A_49 = vector.broadcast %max3A_48 : f32 to vector<2048x128xf32>
    %max3A_50 = arith.maximumf %add3A_47, %max3A_49 : vector<2048x128xf32>
    %get3A_51 = arith.constant 0 : index
    %get3A_52 = arith.constant 0 : index
    %get3A_53 = vector.load %arg10[%get3A_51, %get3A_52] : memref<128x8xf32, #tpu.memory_space<vmem>>, vector<128x8xf32>
    %dot_general3A_54 = arith.constant dense<0.000000e+00> : vector<2048x8xf32>
    %dot_general3A_55 = tpu.matmul %max3A_50, %get3A_53, %dot_general3A_54 {dimension_numbers = #tpu.dot_dimension_numbers<[1], [0], [0], [1], [0, 0, 1, 1], [], []>, transpose_lhs_hint = false} : vector<2048x128xf32>, vector<128x8xf32>, vector<2048x8xf32> -> vector<2048x8xf32>
    %get3A_56 = arith.constant 0 : index
    %get3A_57 = arith.constant 0 : index
    %get3A_58 = vector.load %arg11[%get3A_56, %get3A_57] : memref<1x8xf32, #tpu.memory_space<vmem>>, vector<1x8xf32>
    %add3A_59 = vector.broadcast %get3A_58 : vector<1x8xf32> to vector<2048x8xf32>
    %add3A_60 = arith.addf %dot_general3A_55, %add3A_59 : vector<2048x8xf32>
    %gt3A = arith.constant 0.000000e+00 : f32
    %gt3A_61 = vector.broadcast %gt3A : f32 to vector<2048x8xf32>
    %gt3A_62 = arith.cmpf ogt, %add3A_60, %gt3A_61 : vector<2048x8xf32>
    %mul3A = arith.constant 2.000000e-01 : f32
    %mul3A_63 = vector.broadcast %mul3A : f32 to vector<2048x8xf32>
    %mul3A_64 = arith.mulf %mul3A_63, %add3A_60 : vector<2048x8xf32>
    %select_n3A = arith.select %gt3A_62, %add3A_60, %mul3A_64 : vector<2048x8xi1>, vector<2048x8xf32>
    %swap3A = arith.constant 0 : index
    %swap3A_65 = arith.constant 0 : index
    %swap3A_66 = vector.load %arg12[%swap3A, %swap3A_65] : memref<2048x8xf32, #tpu.memory_space<vmem>>, vector<2048x8xf32>
    tpu.vector_store %arg12[%swap3A, %swap3A_65], %select_n3A {strides = array<i32>} : memref<2048x8xf32, #tpu.memory_space<vmem>>, vector<2048x8xf32>,
    return
  }
  func.func @transform_0(%arg0: i32) -> (i32, i32) {
    %c0_i32 = arith.constant 0 : i32
    %c0_i32_0 = arith.constant 0 : i32
    return %arg0, %c0_i32 : i32, i32
  }
  func.func @transform_1(%arg0: i32) -> (i32, i32) {
    %c0_i32 = arith.constant 0 : i32
    %c0_i32_0 = arith.constant 0 : i32
    %c0_i32_1 = arith.constant 0 : i32
    return %c0_i32, %c0_i32_0 : i32, i32
  }
  func.func @transform_2(%arg0: i32) -> (i32, i32) {
    %c0_i32 = arith.constant 0 : i32
    %c0_i32_0 = arith.constant 0 : i32
    %c0_i32_1 = arith.constant 0 : i32
    return %c0_i32, %c0_i32_0 : i32, i32
  }
  func.func @transform_3(%arg0: i32) -> (i32, i32) {
    %c0_i32 = arith.constant 0 : i32
    %c0_i32_0 = arith.constant 0 : i32
    %c0_i32_1 = arith.constant 0 : i32
    return %c0_i32, %c0_i32_0 : i32, i32
  }
  func.func @transform_4(%arg0: i32) -> (i32, i32) {
    %c0_i32 = arith.constant 0 : i32
    %c0_i32_0 = arith.constant 0 : i32
    %c0_i32_1 = arith.constant 0 : i32
    return %c0_i32, %c0_i32_0 : i32, i32
  }
  func.func @transform_5(%arg0: i32) -> (i32, i32) {
    %c0_i32 = arith.constant 0 : i32
    %c0_i32_0 = arith.constant 0 : i32
    %c0_i32_1 = arith.constant 0 : i32
    return %c0_i32, %c0_i32_0 : i32, i32
  }
  func.func @transform_6(%arg0: i32) -> (i32, i32) {
    %c0_i32 = arith.constant 0 : i32
    %c0_i32_0 = arith.constant 0 : i32
    %c0_i32_1 = arith.constant 0 : i32
    return %c0_i32, %c0_i32_0 : i32, i32
  }
  func.func @transform_7(%arg0: i32) -> (i32, i32) {
    %c0_i32 = arith.constant 0 : i32
    %c0_i32_0 = arith.constant 0 : i32
    %c0_i32_1 = arith.constant 0 : i32
    return %c0_i32, %c0_i32_0 : i32, i32
  }
  func.func @transform_8(%arg0: i32) -> (i32, i32) {
    %c0_i32 = arith.constant 0 : i32
    %c0_i32_0 = arith.constant 0 : i32
    %c0_i32_1 = arith.constant 0 : i32
    return %c0_i32, %c0_i32_0 : i32, i32
  }
  func.func @transform_9(%arg0: i32) -> (i32, i32) {
    %c0_i32 = arith.constant 0 : i32
    %c0_i32_0 = arith.constant 0 : i32
    %c0_i32_1 = arith.constant 0 : i32
    return %c0_i32, %c0_i32_0 : i32, i32
  }
  func.func @transform_10(%arg0: i32) -> (i32, i32) {
    %c0_i32 = arith.constant 0 : i32
    %c0_i32_0 = arith.constant 0 : i32
    %c0_i32_1 = arith.constant 0 : i32
    return %c0_i32, %c0_i32_0 : i32, i32
  }
  func.func @transform_11(%arg0: i32) -> (i32, i32) {
    %c0_i32 = arith.constant 0 : i32
    %c0_i32_0 = arith.constant 0 : i32
    return %arg0, %c0_i32 : i32, i32
  }
}

</mosaic_0001>

<sc_bundles>
// kernel: closed_call.17.cloned.1.call-start
scs
__scs_entry_jumppad:
0x0: {  	(pc) =	sbr.rel $0x88, $3  }
0x1: {  	(tag) =	ssettag $0x0;
	lr =	simm.s32 $0x1  }
0x2: {  	[smem:$0x3F6C] =	sst lr;
	_ =	strace $0xD0000000  }
0x3: {  	_ = 	snop  }
0x4: {  	_ = 	snop  }
0x5: {  	_ = 	snop  }
0x6: {  	_ = 	snop  }
0x7: {  	_ = 	snop  }
__scs_overlays_trampoline_lowered:
0x8: {  	[smem:$0x3F7B] =	sst s0  }
0x9: {  	[smem:$0x3F7C] =	sst s1  }
0xa: {  	[smem:$0x3F7D] =	sst s2  }
0xb: {  	[smem:$0x3F7E] =	sst s3  }
0xc: {  	[smem:$0x3F7F] =	sst s4  }
0xd: {  	[smem:$0x3F80] =	sst s5  }
0xe: {  	[smem:$0x3F81] =	sst s6  }
0xf: {  	[smem:$0x3F82] =	sst s7  }
0x10: {  	[smem:$0x3F83] =	sst s8  }
0x11: {  	[smem:$0x3F84] =	sst s9;
	s0 =	simm.s32 @!p0 $0x0  }
0x12: {  	s1 =	sld [smem:$0x3F6A];
	s0 =	simm.s32 @p0 $0x1  }
0x13: {  	[smem:$0x3F85] =	sst s0;
	s0 =	simm.s32 @!p1 $0x0  }
0x14: {  	s2 =	sld [smem:$0x3F69];
	s0 =	simm.s32 @p1 $0x1  }
0x15: {  	[smem:$0x3F86] =	sst s0;
	s0 =	simm.s32 @!p2 $0x0  }
0x16: {  	s3 =	sld [smem:$0x3FDB];
	s0 =	simm.s32 @p2 $0x1  }
0x17: {  	s4 =	simm.s32 $0x1BF5;
	[smem:$0x3F88] =	sst s0  }
0x18: {  	s0 =	sld [smem:$0x3F6B];
	_ =	swait.ge [sflag:s4], $0x0  }
0x19: {  	s7 =	sld [smem:$0x3F6C]  }
0x1a: {  	s8 =	sadd.s32 $0xFFFFE003, lr  }
0x1b: {  	s9 =	sadd.s32 $0xFFFFFEF7, lr;
	s5 =	simm.s32 $0xFFFFFFFF;
	p2 =	slt.u32 s8, $0xFFFFF086  }
0x1c: {  	p1 =	slt.u32 s9, $0xF7A;
	s5 =	simm.s32 @!p2 $0x0  }
0x1d: {  	s5 =	simm.s32 @p1 $0x1;
	p0 =	seq.s32 s7, s2  }
0x1e: {  	s7 =	smul.u32 @!p0 $0xF7A, s2;
	p2 =	seq.s32 @!p0 s5, $0x0  }
0x1f: {  	s9 =	smul.u32 $0xF7A, s1;
	s8 =	simm.s32 @!p0 $0x1BF5;
	p2 =	por !p2, p0  }
0x20: {  	[sflag:s8] =	ssyncset.s32 @!p0 $0xFFFFF086;
	s6 =	sadd.s32 @!p0 s3, s7;
	s7 =	simm.s32 @!p0 $0x108  }
0x21: {  	s3 =	sadd.s32 s3, s9;
	s6 =	sadd.s32 @!p0 $0x88, s6;
	s7 =	simm.s32 @p2 $0x1082  }
0x22: {  	[simem:s7], [sflag:s8] =	dma.local @!p0 [hbm:s6], $0xF7A  }
0x23: {  	s9 =	sor.u32 $0xD0000000, s2;
	s6 =	simm.s32 $0x108;
	_ =	swait.ge @!p0 [sflag:s8], $0x0  }
0x24: {  	s3 =	sadd.s32 $0x88, s3;
	s6 =	simm.s32 @!p1 $0x1082;
	[sflag:s4] =	ssyncset.s32 $0xFFFFF086  }
0x25: {  	[simem:s6], [sflag:s4] =	dma.local [hbm:s3], $0xF7A  }
0x26: {  	[smem:$0x3F6C] =	sst s1;
	(tag) =	ssettag s2;
	_ =	strace s9  }
0x27: {  	s1 =	sld [smem:$0x3F7C]  }
0x28: {  	s2 =	sld [smem:$0x3F7D]  }
0x29: {  	s4 =	sld [smem:$0x3F7F]  }
0x2a: {  	p0 =	seq.s32 s5, $0x0;
	s5 =	sld [smem:$0x3F80]  }
0x2b: {  	s6 =	sld [smem:$0x3F81]  }
0x2c: {  	s7 =	sld [smem:$0x3F82]  }
0x2d: {  	s3 =	simm.s32 $0x108;
	s8 =	sld [smem:$0x3F83]  }
0x2e: {  	s3 =	simm.s32 @!p0 $0x1082;
	s9 =	sld [smem:$0x3F84]  }
0x2f: {  	lr =	sadd.s32 s0, s3;
	s0 =	sld [smem:$0x3F7B]  }
0x30: {  	s3 =	sld [smem:$0x3F7E]  }
0x31: {  	[smem:$0x3F87] =	sst s10  }
0x32: {  	s10 =	sld [smem:$0x3F85];
	_ =	sdelay $0x3  }
0x33: {  	p0 =	seq.s32 s10, $0x1;
	s10 =	sld [smem:$0x3F87];
	_ =	sdelay $0x3  }
0x34: {  	[smem:$0x3F87] =	sst s10  }
0x35: {  	s10 =	sld [smem:$0x3F86];
	_ =	sdelay $0x3  }
0x36: {  	p1 =	seq.s32 s10, $0x1;
	s10 =	sld [smem:$0x3F87];
	_ =	sdelay $0x3  }
0x37: {  	[smem:$0x3F87] =	sst s10  }
0x38: {  	s10 =	sld [smem:$0x3F88]  }
0x39: {  	_ = 	snop;
	(pc) =	sbr.ind lr, $3  }
0x3a: {  	_ = 	snop  }
0x3b: {  	_ = 	snop  }
0x3c: {  	p2 =	seq.s32 s10, $0x1;
	s10 =	sld [smem:$0x3F87]  }
0x3d: {  	_ =	shalt  }
0x3e: {  	_ =	shalt  }
0x3f: {  	_ =	shalt  }
0x40: {  	_ =	shalt  }
0x41: {  	_ =	shalt  }
0x42: {  	_ =	shalt  }
0x43: {  	_ =	shalt  }
0x44: {  	_ =	shalt  }
0x45: {  	_ =	shalt  }
0x46: {  	_ =	shalt  }
0x47: {  	_ =	shalt  }
0x48: {  	_ =	shalt  }
0x49: {  	_ =	shalt  }
0x4a: {  	_ =	shalt  }
0x4b: {  	_ =	shalt  }
0x4c: {  	_ =	shalt  }
0x4d: {  	_ =	shalt  }
0x4e: {  	_ =	shalt  }
0x4f: {  	_ =	shalt  }
0x50: {  	_ =	shalt  }
0x51: {  	_ =	shalt  }
0x52: {  	_ =	shalt  }
0x53: {  	_ =	shalt  }
0x54: {  	_ =	shalt  }
0x55: {  	_ =	shalt  }
0x56: {  	_ =	shalt  }
0x57: {  	_ =	shalt  }
0x58: {  	_ =	shalt  }
0x59: {  	_ =	shalt  }
0x5a: {  	_ =	shalt  }
0x5b: {  	_ =	shalt  }
0x5c: {  	_ =	shalt  }
0x5d: {  	_ =	shalt  }
0x5e: {  	_ =	shalt  }
0x5f: {  	_ =	shalt  }
0x60: {  	_ =	shalt  }
0x61: {  	_ =	shalt  }
0x62: {  	_ =	shalt  }
0x63: {  	_ =	shalt  }
0x64: {  	_ =	shalt  }
0x65: {  	_ =	shalt  }
0x66: {  	_ =	shalt  }
0x67: {  	_ =	shalt  }
0x68: {  	_ =	shalt  }
0x69: {  	_ =	shalt  }
0x6a: {  	_ =	shalt  }
0x6b: {  	_ =	shalt  }
0x6c: {  	_ =	shalt  }
0x6d: {  	_ =	shalt  }
0x6e: {  	_ =	shalt  }
0x6f: {  	_ =	shalt  }
0x70: {  	_ =	shalt  }
0x71: {  	_ =	shalt  }
0x72: {  	_ =	shalt  }
0x73: {  	_ =	shalt  }
0x74: {  	_ =	shalt  }
0x75: {  	_ =	shalt  }
0x76: {  	_ =	shalt  }
0x77: {  	_ =	shalt  }
0x78: {  	_ =	shalt  }
0x79: {  	_ =	shalt  }
0x7a: {  	_ =	shalt  }
0x7b: {  	_ =	shalt  }
0x7c: {  	_ =	shalt  }
0x7d: {  	_ =	shalt  }
0x7e: {  	_ =	shalt  }
0x7f: {  	_ =	shalt  }
0x80: {  	_ =	shalt  }
0x81: {  	_ =	shalt  }
0x82: {  	_ =	shalt  }
0x83: {  	_ =	shalt  }
0x84: {  	_ =	shalt  }
0x85: {  	_ =	shalt  }
0x86: {  	_ =	shalt  }
0x87: {  	_ =	shalt  }
.Lfunc_end0:
.L_simem_size_0:
called_computation_lowered:
.L_overlay_start_0:
0x88: {  	s2 =	sld [smem:$0x3FD9]  }
0x89: {  	s3 =	sld [smem:$0x3FFE];
	_ =	sdelay $0x1  }
0x8a: {  	s1 =	srdreg.scid  }
0x8b: {  	s0 =	sand.u32 $0x1, s1  }
0x8c: {  	s16 =	sshll.u32 s0, $0xA;
	s2 =	sadd.s32 s3, s2  }
0x8d: {  	s2 =	sadd.s32 s2, s16  }
0x8e: {  	[smem:$0x3F93] =	sst s2  }
0x8f: {  	_ = 	snop  }
0x90: {  	(tm) =	ssettm $0x1  }
0x91: {  	s17 =	sld [smem:$0x3FFB];
	_ =	sdelay $0x3  }
0x92: {  	_ =	strace s17  }
0x93: {  	s2 =	sld [smem:$0x3FFC];
	_ =	sdelay $0x3  }
0x94: {  	_ =	strace s2  }
0x95: {  	s2 =	sld [smem:$0x3FFD];
	_ =	sdelay $0x3  }
0x96: {  	_ =	strace s2  }
0x97: {  	_ =	strace $0x8FFFFFFF  }
0x98: {  	s18 =	sld [smem:$0x3FDB];
	_ =	sdelay $0x1  }
0x99: {  	s19 =	simm.s32 $_scs_section_size  }
0x9a: {  	s4 =	simm.s32 $_size__tile_overlayer_lowered;
	s5 =	simm.s32 $_tile_overlayer_lowered  }
0x9b: {  	s22 =	simm.s32 $0x1BFF;
	s21 =	sshll.u32 s5, $0x1;
	s2 =	sadd.s32 s19, s18  }
0x9c: {  	s6 =	simm.s32 $0x0;
	s20 =	sshll.u32 s4, $0x1;
	s4 =	sadd.s32 s21, s2  }
0x9d: {  	[timem:s6], [sflag:s22] =	dma.local [hbm:s4], s20  }
0x9e: {  	_ =	swait.ge [sflag:s22], s20  }
0x9f: {  	s3 =	ssub.s32 $0x0, s20;
	[sflag:s22] =	ssyncset.done $0x0  }
0xa0: {  	[sflag:s22] =	ssyncadd.s32 s3;
	_ =	sdelay $0x1  }
0xa1: {  	s23 =	simm.s32 $0x1B8B  }
0xa2: {  	_ =	swait.ge [sflag:s23], $0x1  }
0xa3: {  	[sflag:s23] =	ssyncset.done $0x0  }
0xa4: {  	s25 =	simm.s32 $0x1B8E;
	s24 =	sld [smem:$0x3FFE];
	[sflag:s23] =	ssyncadd.s32 $0xFFFFFFFF  }
0xa5: {  	s26 =	simm.s32 $execute0_lowered;
	[smem:$0x3FD2] =	sst s25  }
0xa6: {  	s4 =	sshll.u32 s26, $0x1;
	_ =	strace $0x80000046;
	[dreg:$0x1] =	wrdreg $0xFFFFFFFF  }
0xa7: {  	s28 =	simm.s32 $_size_execute0_lowered;
	s2 =	sadd.s32 s2, s4;
	[dreg:$0x0] =	wrdreg $0x0  }
0xa8: {  	s4 =	sshll.u32 s28, $0x1;
	[dreg:$0x2] =	wrdreg s2  }
0xa9: {  	[dreg:$0x3] =	wrdreg s4  }
0xaa: {  	[dreg:$0x4] =	wrdreg $0xC0  }
0xab: {  	_ =	task [dreg:s6], $0x5FFFF  }
0xac: {  	[dreg:$0x1] =	wrdreg $0xFFFFFFFF  }
0xad: {  	[dreg:$0x0] =	wrdreg $0x60  }
0xae: {  	[dreg:$0x2] =	wrdreg s24  }
0xaf: {  	[dreg:$0x3] =	wrdreg $0x9  }
0xb0: {  	_ =	task.clear_ibuf [dreg:s6], $0x4FFFF;
	_ =	strace $0x90000046  }
0xb1: {  	s29 =	simm.s32 $0x9;
	_ =	strace $0x80000048  }
0xb2: {  	_ =	swait.ge [sflag:s29], $0x1  }
0xb3: {  	[sflag:s29] =	ssyncadd.s32 $0xFFFFFFFF  }
0xb4: {  	_ =	strace $0x90000048  }
0xb5: {  	_ =	sfence  }
0xb6: {  	s30 =	sld [smem:$0x0];
	_ =	sdelay $0x2  }
0xb7: {  	s31 =	sshll.u32 s1, $0xD;
	s1 =	sshrl.u32 s1, $0x2  }
0xb8: {  	s3 =	sand.u32 $0x4000, s31;
	s1 =	sadd.s32 s1, s30  }
0xb9: {  	s0 =	sor.u32 s3, s0;
	s1 =	sshll.u32 s1, $0x11  }
0xba: {  	s0 =	sor.u32 s1, s0  }
0xbb: {  	s0 =	sadd.s32 $0x8F2B, s0  }
0xbc: {  	[sflag:s0] =	ssyncadd.remote.s32 $0x1  }
0xbd: {  	_ =	sfence.sel $0xFFFF  }
0xbe: {  	[dreg:$0x0] =	wrdreg $0xFFFFFFFF;
	(pc) =	sbr.abs _section_cstart, $3  }
0xbf: {  	[dreg:$0x1] =	wrdreg $0xFFFFFFFF  }
0xc0: {  	_ =	task.clear_ibuf [dreg:s6], $0x2FFFF;
	_ =	strace $0x9FFFFFFF  }
0xc1: {  	(tm) =	ssettm $0x7FFFFFFF  }
tec
execute0_lowered:
.L_overlay_start_1:
0x0: {  	(tag) =	ssettag $0x1  }
0x1: {  	s1 =	srdreg.scid  }
0x2: {  	s0 =	stileid.u32;
	s6 =	rddreg [dreg:$0x0];
	s2 =	simm.s32 $0x0  }
0x3: {  	s11 =	simm.s32 $0x5;
	s12 =	simm.s32 $0xC80;
	s13 =	simm.s32 $0x640  }
0x4: {  	s14 =	simm.s32 $0x1900;
	s15 =	simm.s32 $0xE100;
	s16 =	simm.s32 $0x1  }
0x5: {  	s17 =	simm.s32 $0x12C0;
	s18 =	simm.s32 $0x7D00;
	s19 =	simm.s32 $0x14500  }
0x6: {  	s20 =	simm.s32 $0x2;
	s5 =	sand.u32 $0x1, s1;
	s3 =	sshll.u32 s0, $0x1  }
0x7: {  	s21 =	simm.s32 $0x4;
	s1 =	rddreg [dreg:$0x1];
	s3 =	sor.u32 s5, s3  }
0x8: {  	s22 =	simm.s32 $0x0;
	[smem:$0x7FF] =	sst s2;
	s3 =	smul.u32 $0xC800, s3  }
0x9: {  	s4 =	sadd.s32 $0xEBC00, s6;
	_ =	strace $0x80000047;
	s7 =	ssub.s32 $0x2, s5  }
0xa: {  	s5 =	sadd.s32 $0x24A00, s6;
	s8 =	sshrl.u32 s7, $0x1;
	s9 =	sshrl.u32 s3, $0x3  }
0xb: {  	s6 =	sadd.s32 $0x4CB400, s6;
	s10 =	ssub.s32 s7, s8;
	s7 =	sadd.s32 s5, s9  }
0xc: {  	s10 =	smax.u32 s10, $0x1;
	s9 =	sor.u32 $0x640, s3;
	s8 =	sadd.s32 $0x32000, s7  }
.LBB2_1:
0xd: {  	[tilespmem:s2], [sflag:$0x5] =	stream.linear.gather [hbm4b:s7+s2], $0x640, $0x38;
	[tilespmem:$0x1A900] =	vst v63  }
0xe: {  	_ =	swait.ge [sflag:s11], $0x640  }
0xf: {  	[sflag:s11] =	ssyncset.done $0x0  }
0x10: {  	[sflag:s11] =	ssyncadd.s32 $0xFFFFF9C0  }
0x11: {  	[tilespmem:s12], [sflag:$0x5] =	stream.linear.gather [hbm4b:s8+s2], $0x640, $0x38;
	[tilespmem:$0x1A900] =	vst v63  }
0x12: {  	_ =	swait.ge [sflag:s11], $0x640  }
0x13: {  	[sflag:s11] =	ssyncset.done $0x0  }
0x14: {  	[sflag:s11] =	ssyncadd.s32 $0xFFFFF9C0  }
0x15: {  	[tilespmem:s14], [sflag:$0x1] =	stream.indirect.gather [hbm4b:s4+s13], $0x10, s2, s13, $0xb8;
	[tilespmem:$0x1A900] =	vst v63  }
0x16: {  	s23 =	simm.s32 $0x0  }
0x17: {  	[tilespmem:s15], [sflag:$0x1] =	stream.indirect.gather [hbm4b:s4+s13], $0x10, s12, s13, $0xb8;
	[tilespmem:$0x1A900] =	vst v63  }
.LBB2_2:
0x18: {  	s24 =	smul.u32 $0xC80, s23;
	_ =	swait.ge [sflag:s16], $0x6400  }
0x19: {  	[sflag:s16] =	ssyncset.done $0x0  }
0x1a: {  	s25 =	sadd.s32 s3, s24;
	[sflag:s16] =	ssyncadd.s32 $0xFFFF9C00  }
0x1b: {  	_ =	swait.ge [sflag:s16], $0x6400;
	s26 =	sshrl.u32 s25, $0x3  }
0x1c: {  	[sflag:s16] =	ssyncset.done $0x0;
	s26 =	sadd.s32 s5, s26  }
0x1d: {  	[sflag:s16] =	ssyncadd.s32 $0xFFFF9C00;
	s28 =	sadd.s32 $0xC8, s26  }
0x1e: {  	[tilespmem:s13], [sflag:$0x5] =	stream.linear.gather [hbm4b:s28+s2], $0x640, $0x38;
	[tilespmem:$0x1A900] =	vst v63  }
0x1f: {  	_ =	swait.ge [sflag:s11], $0x640  }
0x20: {  	[sflag:s11] =	ssyncset.done $0x0  }
0x21: {  	s26 =	sadd.s32 $0x320C8, s26;
	[sflag:s11] =	ssyncadd.s32 $0xFFFFF9C0  }
0x22: {  	[tilespmem:s17], [sflag:$0x5] =	stream.linear.gather [hbm4b:s26+s2], $0x640, $0x38;
	[tilespmem:$0x1A900] =	vst v63  }
0x23: {  	_ =	swait.ge [sflag:s11], $0x640  }
0x24: {  	p0 =	seq.s32 s23, $0x0;
	[sflag:s11] =	ssyncset.done $0x0  }
0x25: {  	s26 =	simm.s32 @!p0 $0x4;
	[sflag:s11] =	ssyncadd.s32 $0xFFFFF9C0  }
0x26: {  	_ =	swait.ge @!p0 [sflag:s26], $0x6400  }
0x27: {  	[sflag:s26] =	ssyncset.done @!p0 $0x0  }
0x28: {  	[sflag:s26] =	ssyncadd.s32 @!p0 $0xFFFF9C00  }
0x29: {  	[tilespmem:s18], [sflag:$0x2] =	stream.indirect.gather [hbm4b:s4+s13], $0x10, s13, s13, $0xb8;
	[tilespmem:$0x1A900] =	vst v63  }
0x2a: {  	s26 =	simm.s32 $0x0  }
0x2b: {  	[tilespmem:s19], [sflag:$0x2] =	stream.indirect.gather [hbm4b:s4+s13], $0x10, s17, s13, $0xb8;
	[tilespmem:$0x1A900] =	vst v63  }
0x2c: {  	v7 =	vld [tilespmem:s26+$0xE100]  }
0x2d: {  	v11 =	vld [tilespmem:s26+$0xE110]  }
0x2e: {  	v5 =	vld [tilespmem:s26+$0xE120]  }
0x2f: {  	v4 =	vld [tilespmem:s26+$0xE130]  }
0x30: {  	v3 =	vld [tilespmem:s26+$0xE140]  }
0x31: {  	v2 =	vld [tilespmem:s26+$0xE150]  }
0x32: {  	v1 =	vld [tilespmem:s26+$0xE160]  }
0x33: {  	v0 =	vld [tilespmem:s26+$0xE170]  }
0x34: {  	v12 =	vld [tilespmem:s26+$0x1900]  }
0x35: {  	v13 =	vld [tilespmem:s26+$0x1910]  }
0x36: {  	v10 =	vld [tilespmem:s26+$0x1920]  }
0x37: {  	v9 =	vld [tilespmem:s26+$0x1930]  }
0x38: {  	v8 =	vld [tilespmem:s26+$0x1940]  }
0x39: {  	v6 =	vld [tilespmem:s26+$0x1950];
	v12 =	vadd.f32 v7, v12  }
0x3a: {  	s28 =	simm.s32 $0x200;
	v11 =	vadd.f32 v11, v13;
	v7 =	vld [tilespmem:s26+$0x1960]  }
.LBB2_3:
0x3b: {  	s29 =	sshra.s32 s28, $0x2;
	p0 =	sne.s32 s28, $0x18E00;
	[tilespmem:s26+$0x1900] =	vst v12;
	v5 =	vadd.f32 v5, v10;
	v10 =	vld [tilespmem:s26+$0x1970]  }
0x3c: {  	v12 =	vld [tilespmem:s29+$0xE100];
	[tilespmem:s26+$0x1910] =	vst v11;
	v4 =	vadd.f32 v4, v9  }
0x3d: {  	v11 =	vld [tilespmem:s29+$0xE110];
	[tilespmem:s26+$0x1920] =	vst v5;
	v3 =	vadd.f32 v3, v8  }
0x3e: {  	v5 =	vld [tilespmem:s29+$0xE120];
	[tilespmem:s26+$0x1930] =	vst v4;
	v2 =	vadd.f32 v2, v6  }
0x3f: {  	v4 =	vld [tilespmem:s29+$0xE130];
	[tilespmem:s26+$0x1940] =	vst v3;
	v1 =	vadd.f32 v1, v7  }
0x40: {  	v3 =	vld [tilespmem:s29+$0xE140];
	[tilespmem:s26+$0x1950] =	vst v2;
	v0 =	vadd.f32 v0, v10  }
0x41: {  	v2 =	vld [tilespmem:s29+$0xE150];
	[tilespmem:s26+$0x1960] =	vst v1  }
0x42: {  	v1 =	vld [tilespmem:s29+$0xE160];
	[tilespmem:s26+$0x1970] =	vst v0;
	s26 =	smov.u32 s29  }
0x43: {  	v0 =	vld [tilespmem:s26+$0xE170]  }
0x44: {  	v6 =	vld [tilespmem:s26+$0x1900]  }
0x45: {  	v7 =	vld [tilespmem:s26+$0x1910]  }
.Ltmp0:
0x46: {  	v10 =	vld [tilespmem:s26+$0x1920];
	(pc) =	sbr.rel @p0 .LBB2_3-.Ltmp0, $4  }
0x47: {  	v9 =	vld [tilespmem:s26+$0x1930]  }
0x48: {  	v8 =	vld [tilespmem:s26+$0x1940]  }
0x49: {  	v12 =	vadd.f32 v12, v6;
	v6 =	vld [tilespmem:s26+$0x1950]  }
0x4a: {  	s28 =	sadd.s32 $0x200, s28;
	v11 =	vadd.f32 v11, v7;
	v7 =	vld [tilespmem:s26+$0x1960]  }
0x4b: {  	[tilespmem:s26+$0x1900] =	vst v12;
	v5 =	vadd.f32 v5, v10;
	v10 =	vld [tilespmem:s26+$0x1970]  }
0x4c: {  	[tilespmem:s26+$0x1910] =	vst v11;
	v4 =	vadd.f32 v4, v9  }
0x4d: {  	[tilespmem:s26+$0x1920] =	vst v5;
	v3 =	vadd.f32 v3, v8  }
0x4e: {  	[tilespmem:s26+$0x1930] =	vst v4;
	v2 =	vadd.f32 v2, v6  }
0x4f: {  	[tilespmem:s26+$0x1940] =	vst v3;
	v1 =	vadd.f32 v1, v7  }
0x50: {  	[tilespmem:s26+$0x1950] =	vst v2;
	v0 =	vadd.f32 v0, v10  }
0x51: {  	s25 =	sshll.u32 s25, $0x1;
	[tilespmem:s26+$0x1960] =	vst v1  }
0x52: {  	s25 =	sadd.s32 s6, s25;
	[tilespmem:s26+$0x1970] =	vst v0  }
0x53: {  	[hbm4b:s25+s2] =	stream.linear.scatter [tilespmem:s14], [sflag:$0x3], $0x6400, $0x38;
	[tilespmem:$0x1A900] =	vst v63  }
0x54: {  	_ =	swait.ge [sflag:s20], $0x6400  }
0x55: {  	[sflag:s20] =	ssyncset.done $0x0  }
0x56: {  	s24 =	sadd.s32 s24, s9;
	p0 =	seq.s32 s23, $0xF;
	[sflag:s20] =	ssyncadd.s32 $0xFFFF9C00  }
0x57: {  	s25 =	sshrl.u32 @!p0 s24, $0x3;
	_ =	swait.ge [sflag:s20], $0x6400  }
0x58: {  	s25 =	sadd.s32 @!p0 s5, s25;
	[sflag:s20] =	ssyncset.done $0x0  }
0x59: {  	s28 =	simm.s32 @!p0 $0x0;
	s26 =	sadd.s32 @!p0 $0xC8, s25;
	[sflag:s20] =	ssyncadd.s32 $0xFFFF9C00  }
0x5a: {  	[tilespmem:s28], [sflag:$0x5] =	stream.linear.gather @!p0 [hbm4b:s26+s28], $0x640, $0x38;
	[tilespmem:$0x1A900] =	vst v63  }
0x5b: {  	s26 =	simm.s32 @!p0 $0x5  }
0x5c: {  	_ =	swait.ge @!p0 [sflag:s26], $0x640  }
0x5d: {  	[sflag:s26] =	ssyncset.done @!p0 $0x0  }
0x5e: {  	s29 =	simm.s32 @!p0 $0xC80;
	s25 =	sadd.s32 @!p0 $0x320C8, s25;
	[sflag:s26] =	ssyncadd.s32 @!p0 $0xFFFFF9C0  }
0x5f: {  	[tilespmem:s29], [sflag:$0x5] =	stream.linear.gather @!p0 [hbm4b:s25+s28], $0x640, $0x38;
	[tilespmem:$0x1A900] =	vst v63  }
0x60: {  	_ =	swait.ge @!p0 [sflag:s26], $0x640  }
0x61: {  	[sflag:s26] =	ssyncset.done @!p0 $0x0  }
0x62: {  	s25 =	simm.s32 @!p0 $0x3;
	[sflag:s26] =	ssyncadd.s32 @!p0 $0xFFFFF9C0  }
0x63: {  	_ =	swait.ge @!p0 [sflag:s25], $0x6400  }
0x64: {  	[sflag:s25] =	ssyncset.done @!p0 $0x0  }
0x65: {  	s26 =	simm.s32 @!p0 $0x1900;
	[sflag:s25] =	ssyncadd.s32 @!p0 $0xFFFF9C00;
	s25 =	simm.s32 @!p0 $0x640  }
0x66: {  	[tilespmem:s26], [sflag:$0x1] =	stream.indirect.gather @!p0 [hbm4b:s4+s25], $0x10, s28, s25, $0xb8;
	[tilespmem:$0x1A900] =	vst v63  }
0x67: {  	s26 =	simm.s32 @!p0 $0xE100  }
0x68: {  	[tilespmem:s26], [sflag:$0x1] =	stream.indirect.gather @!p0 [hbm4b:s4+s25], $0x10, s29, s25, $0xb8;
	[tilespmem:$0x1A900] =	vst v63  }
0x69: {  	s25 =	simm.s32 $0x0  }
0x6a: {  	v7 =	vld [tilespmem:s25+$0x14500]  }
0x6b: {  	v11 =	vld [tilespmem:s25+$0x14510]  }
0x6c: {  	v5 =	vld [tilespmem:s25+$0x14520]  }
0x6d: {  	v4 =	vld [tilespmem:s25+$0x14530]  }
0x6e: {  	v3 =	vld [tilespmem:s25+$0x14540]  }
0x6f: {  	v2 =	vld [tilespmem:s25+$0x14550]  }
0x70: {  	v1 =	vld [tilespmem:s25+$0x14560]  }
0x71: {  	v0 =	vld [tilespmem:s25+$0x14570]  }
0x72: {  	v12 =	vld [tilespmem:s25+$0x7D00]  }
0x73: {  	v13 =	vld [tilespmem:s25+$0x7D10]  }
0x74: {  	v10 =	vld [tilespmem:s25+$0x7D20]  }
0x75: {  	v9 =	vld [tilespmem:s25+$0x7D30]  }
0x76: {  	v8 =	vld [tilespmem:s25+$0x7D40]  }
0x77: {  	v6 =	vld [tilespmem:s25+$0x7D50];
	v12 =	vadd.f32 v7, v12  }
0x78: {  	s26 =	simm.s32 $0x200;
	v11 =	vadd.f32 v11, v13;
	v7 =	vld [tilespmem:s25+$0x7D60]  }
.LBB2_5:
0x79: {  	s28 =	sshra.s32 s26, $0x2;
	p0 =	sne.s32 s26, $0x18E00;
	[tilespmem:s25+$0x7D00] =	vst v12;
	v5 =	vadd.f32 v5, v10;
	v10 =	vld [tilespmem:s25+$0x7D70]  }
0x7a: {  	v12 =	vld [tilespmem:s28+$0x14500];
	[tilespmem:s25+$0x7D10] =	vst v11;
	v4 =	vadd.f32 v4, v9  }
0x7b: {  	v11 =	vld [tilespmem:s28+$0x14510];
	[tilespmem:s25+$0x7D20] =	vst v5;
	v3 =	vadd.f32 v3, v8  }
0x7c: {  	v5 =	vld [tilespmem:s28+$0x14520];
	[tilespmem:s25+$0x7D30] =	vst v4;
	v2 =	vadd.f32 v2, v6  }
0x7d: {  	v4 =	vld [tilespmem:s28+$0x14530];
	[tilespmem:s25+$0x7D40] =	vst v3;
	v1 =	vadd.f32 v1, v7  }
0x7e: {  	v3 =	vld [tilespmem:s28+$0x14540];
	[tilespmem:s25+$0x7D50] =	vst v2;
	v0 =	vadd.f32 v0, v10  }
0x7f: {  	v2 =	vld [tilespmem:s28+$0x14550];
	[tilespmem:s25+$0x7D60] =	vst v1  }
0x80: {  	v1 =	vld [tilespmem:s28+$0x14560];
	[tilespmem:s25+$0x7D70] =	vst v0;
	s25 =	smov.u32 s28  }
0x81: {  	v0 =	vld [tilespmem:s25+$0x14570]  }
0x82: {  	v6 =	vld [tilespmem:s25+$0x7D00]  }
0x83: {  	v7 =	vld [tilespmem:s25+$0x7D10]  }
.Ltmp1:
0x84: {  	v10 =	vld [tilespmem:s25+$0x7D20];
	(pc) =	sbr.rel @p0 .LBB2_5-.Ltmp1, $4  }
0x85: {  	v9 =	vld [tilespmem:s25+$0x7D30]  }
0x86: {  	v8 =	vld [tilespmem:s25+$0x7D40]  }
0x87: {  	v12 =	vadd.f32 v12, v6;
	v6 =	vld [tilespmem:s25+$0x7D50]  }
0x88: {  	s26 =	sadd.s32 $0x200, s26;
	v11 =	vadd.f32 v11, v7;
	v7 =	vld [tilespmem:s25+$0x7D60]  }
0x89: {  	[tilespmem:s25+$0x7D00] =	vst v12;
	v5 =	vadd.f32 v5, v10;
	v63 =	vld [tilespmem:s25+$0x7D70]  }
0x8a: {  	[tilespmem:s25+$0x7D10] =	vst v11;
	v4 =	vadd.f32 v4, v9  }
0x8b: {  	s23 =	sadd.s32 $0x1, s23;
	[tilespmem:s25+$0x7D20] =	vst v5;
	v3 =	vadd.f32 v3, v8  }
0x8c: {  	p0 =	sne.s32 s23, $0x10;
	[tilespmem:s25+$0x7D30] =	vst v4;
	v2 =	vadd.f32 v2, v6  }
.Ltmp2:
0x8d: {  	[tilespmem:s25+$0x7D40] =	vst v3;
	v1 =	vadd.f32 v1, v7;
	(pc) =	sbr.rel @p0 .LBB2_2-.Ltmp2, $4  }
0x8e: {  	s24 =	sshll.u32 s24, $0x1;
	[tilespmem:s25+$0x7D50] =	vst v2;
	v0 =	vadd.f32 v0, v63  }
0x8f: {  	s24 =	sand.u32 $0x1FFFFF80, s24;
	[tilespmem:s25+$0x7D60] =	vst v1  }
0x90: {  	s24 =	sadd.s32 s6, s24;
	[tilespmem:s25+$0x7D70] =	vst v0  }
0x91: {  	[hbm4b:s24+s2] =	stream.linear.scatter [tilespmem:s18], [sflag:$0x4], $0x6400, $0x38;
	[tilespmem:$0x1A900] =	vst v63  }
0x92: {  	s22 =	sadd.s32 $0x1, s22  }
0x93: {  	p0 =	sne.s32 s22, s10  }
.Ltmp3:
0x94: {  	_ = 	snop;
	(pc) =	sbr.rel @p0 .LBB2_1-.Ltmp3, $4  }
0x95: {  	_ = 	snop  }
0x96: {  	_ =	swait.ge [sflag:s21], $0x6400  }
0x97: {  	[sflag:s21] =	ssyncset.done $0x0  }
0x98: {  	[sflag:s21] =	ssyncadd.s32 $0xFFFF9C00  }
0x99: {  	_ =	sfence.sel $0x180000  }
0x9a: {  	[bflag:$0x0] =	sbarrier.arrive $0xFFFF  }
0x9b: {  	p0 =	sne.s32 s0, $0x0;
	_ =	strace $0x90000047  }
0x9c: {  	s0 =	sadd.s32 @!p0 $0x100000, s1;
	[bflag:$0x2] =	sbarrier.arrive $0xFFFF  }
0x9d: {  	[sflag:s0] =	ssyncadd.tile.s32 @!p0 $0x1;
	_ =	shalt  }
.Lfunc_end2:
_tile_overlayer_lowered:
.L_overlay_start_2:
0x9e: {  	(tag) =	ssettag $0x2  }
0x9f: {  	s0 =	rddreg [dreg:$0x0];
	s2 =	stileid.u32  }
0xa0: {  	s1 =	rddreg [dreg:$0x1];
	p0 =	sne.s32 s2, $0x0  }
0xa1: {  	s3 =	rddreg [dreg:$0x2];
	[bflag:$0x3] =	sbarrier.arrive $0xFFFF;
	s2 =	simm.s32 @!p0 $0x1C05  }
0xa2: {  	[timem:s3], [sflag:s2] =	dma.local @!p0 [hbm:s0], s1  }
0xa3: {  	s0 =	simm.s32 @!p0 $0x5  }
0xa4: {  	_ =	swait.ge @!p0 [sflag:s0], s1  }
0xa5: {  	s1 =	ssub.s32 @!p0 $0x0, s1;
	[sflag:s0] =	ssyncset.done @!p0 $0x0  }
0xa6: {  	[sflag:s0] =	ssyncadd.s32 @!p0 s1  }
0xa7: {  	[bflag:$0x3] =	sbarrier.arrive $0xFFFF  }
0xa8: {  	_ =	shalt  }

// kernel: closed_call.20.cloned.1.call-start
scs
__scs_entry_jumppad:
0x0: {  	(pc) =	sbr.rel $0x88, $3  }
0x1: {  	(tag) =	ssettag $0x0;
	lr =	simm.s32 $0x1  }
0x2: {  	[smem:$0x3F6C] =	sst lr;
	_ =	strace $0xD0000000  }
0x3: {  	_ = 	snop  }
0x4: {  	_ = 	snop  }
0x5: {  	_ = 	snop  }
0x6: {  	_ = 	snop  }
0x7: {  	_ = 	snop  }
__scs_overlays_trampoline_lowered:
0x8: {  	[smem:$0x3F7B] =	sst s0  }
0x9: {  	[smem:$0x3F7C] =	sst s1  }
0xa: {  	[smem:$0x3F7D] =	sst s2  }
0xb: {  	[smem:$0x3F7E] =	sst s3  }
0xc: {  	[smem:$0x3F7F] =	sst s4  }
0xd: {  	[smem:$0x3F80] =	sst s5  }
0xe: {  	[smem:$0x3F81] =	sst s6  }
0xf: {  	[smem:$0x3F82] =	sst s7  }
0x10: {  	[smem:$0x3F83] =	sst s8  }
0x11: {  	[smem:$0x3F84] =	sst s9;
	s0 =	simm.s32 @!p0 $0x0  }
0x12: {  	s1 =	sld [smem:$0x3F6A];
	s0 =	simm.s32 @p0 $0x1  }
0x13: {  	[smem:$0x3F85] =	sst s0;
	s0 =	simm.s32 @!p1 $0x0  }
0x14: {  	s2 =	sld [smem:$0x3F69];
	s0 =	simm.s32 @p1 $0x1  }
0x15: {  	[smem:$0x3F86] =	sst s0;
	s0 =	simm.s32 @!p2 $0x0  }
0x16: {  	s3 =	sld [smem:$0x3FDB];
	s0 =	simm.s32 @p2 $0x1  }
0x17: {  	s4 =	simm.s32 $0x1BF5;
	[smem:$0x3F88] =	sst s0  }
0x18: {  	s0 =	sld [smem:$0x3F6B];
	_ =	swait.ge [sflag:s4], $0x0  }
0x19: {  	s7 =	sld [smem:$0x3F6C]  }
0x1a: {  	s8 =	sadd.s32 $0xFFFFE003, lr  }
0x1b: {  	s9 =	sadd.s32 $0xFFFFFEF7, lr;
	s5 =	simm.s32 $0xFFFFFFFF;
	p2 =	slt.u32 s8, $0xFFFFF086  }
0x1c: {  	p1 =	slt.u32 s9, $0xF7A;
	s5 =	simm.s32 @!p2 $0x0  }
0x1d: {  	s5 =	simm.s32 @p1 $0x1;
	p0 =	seq.s32 s7, s2  }
0x1e: {  	s7 =	smul.u32 @!p0 $0xF7A, s2;
	p2 =	seq.s32 @!p0 s5, $0x0  }
0x1f: {  	s9 =	smul.u32 $0xF7A, s1;
	s8 =	simm.s32 @!p0 $0x1BF5;
	p2 =	por !p2, p0  }
0x20: {  	[sflag:s8] =	ssyncset.s32 @!p0 $0xFFFFF086;
	s6 =	sadd.s32 @!p0 s3, s7;
	s7 =	simm.s32 @!p0 $0x108  }
0x21: {  	s3 =	sadd.s32 s3, s9;
	s6 =	sadd.s32 @!p0 $0x88, s6;
	s7 =	simm.s32 @p2 $0x1082  }
0x22: {  	[simem:s7], [sflag:s8] =	dma.local @!p0 [hbm:s6], $0xF7A  }
0x23: {  	s9 =	sor.u32 $0xD0000000, s2;
	s6 =	simm.s32 $0x108;
	_ =	swait.ge @!p0 [sflag:s8], $0x0  }
0x24: {  	s3 =	sadd.s32 $0x88, s3;
	s6 =	simm.s32 @!p1 $0x1082;
	[sflag:s4] =	ssyncset.s32 $0xFFFFF086  }
0x25: {  	[simem:s6], [sflag:s4] =	dma.local [hbm:s3], $0xF7A  }
0x26: {  	[smem:$0x3F6C] =	sst s1;
	(tag) =	ssettag s2;
	_ =	strace s9  }
0x27: {  	s1 =	sld [smem:$0x3F7C]  }
0x28: {  	s2 =	sld [smem:$0x3F7D]  }
0x29: {  	s4 =	sld [smem:$0x3F7F]  }
0x2a: {  	p0 =	seq.s32 s5, $0x0;
	s5 =	sld [smem:$0x3F80]  }
0x2b: {  	s6 =	sld [smem:$0x3F81]  }
0x2c: {  	s7 =	sld [smem:$0x3F82]  }
0x2d: {  	s3 =	simm.s32 $0x108;
	s8 =	sld [smem:$0x3F83]  }
0x2e: {  	s3 =	simm.s32 @!p0 $0x1082;
	s9 =	sld [smem:$0x3F84]  }
0x2f: {  	lr =	sadd.s32 s0, s3;
	s0 =	sld [smem:$0x3F7B]  }
0x30: {  	s3 =	sld [smem:$0x3F7E]  }
0x31: {  	[smem:$0x3F87] =	sst s10  }
0x32: {  	s10 =	sld [smem:$0x3F85];
	_ =	sdelay $0x3  }
0x33: {  	p0 =	seq.s32 s10, $0x1;
	s10 =	sld [smem:$0x3F87];
	_ =	sdelay $0x3  }
0x34: {  	[smem:$0x3F87] =	sst s10  }
0x35: {  	s10 =	sld [smem:$0x3F86];
	_ =	sdelay $0x3  }
0x36: {  	p1 =	seq.s32 s10, $0x1;
	s10 =	sld [smem:$0x3F87];
	_ =	sdelay $0x3  }
0x37: {  	[smem:$0x3F87] =	sst s10  }
0x38: {  	s10 =	sld [smem:$0x3F88]  }
0x39: {  	_ = 	snop;
	(pc) =	sbr.ind lr, $3  }
0x3a: {  	_ = 	snop  }
0x3b: {  	_ = 	snop  }
0x3c: {  	p2 =	seq.s32 s10, $0x1;
	s10 =	sld [smem:$0x3F87]  }
0x3d: {  	_ =	shalt  }
0x3e: {  	_ =	shalt  }
0x3f: {  	_ =	shalt  }
0x40: {  	_ =	shalt  }
0x41: {  	_ =	shalt  }
0x42: {  	_ =	shalt  }
0x43: {  	_ =	shalt  }
0x44: {  	_ =	shalt  }
0x45: {  	_ =	shalt  }
0x46: {  	_ =	shalt  }
0x47: {  	_ =	shalt  }
0x48: {  	_ =	shalt  }
0x49: {  	_ =	shalt  }
0x4a: {  	_ =	shalt  }
0x4b: {  	_ =	shalt  }
0x4c: {  	_ =	shalt  }
0x4d: {  	_ =	shalt  }
0x4e: {  	_ =	shalt  }
0x4f: {  	_ =	shalt  }
0x50: {  	_ =	shalt  }
0x51: {  	_ =	shalt  }
0x52: {  	_ =	shalt  }
0x53: {  	_ =	shalt  }
0x54: {  	_ =	shalt  }
0x55: {  	_ =	shalt  }
0x56: {  	_ =	shalt  }
0x57: {  	_ =	shalt  }
0x58: {  	_ =	shalt  }
0x59: {  	_ =	shalt  }
0x5a: {  	_ =	shalt  }
0x5b: {  	_ =	shalt  }
0x5c: {  	_ =	shalt  }
0x5d: {  	_ =	shalt  }
0x5e: {  	_ =	shalt  }
0x5f: {  	_ =	shalt  }
0x60: {  	_ =	shalt  }
0x61: {  	_ =	shalt  }
0x62: {  	_ =	shalt  }
0x63: {  	_ =	shalt  }
0x64: {  	_ =	shalt  }
0x65: {  	_ =	shalt  }
0x66: {  	_ =	shalt  }
0x67: {  	_ =	shalt  }
0x68: {  	_ =	shalt  }
0x69: {  	_ =	shalt  }
0x6a: {  	_ =	shalt  }
0x6b: {  	_ =	shalt  }
0x6c: {  	_ =	shalt  }
0x6d: {  	_ =	shalt  }
0x6e: {  	_ =	shalt  }
0x6f: {  	_ =	shalt  }
0x70: {  	_ =	shalt  }
0x71: {  	_ =	shalt  }
0x72: {  	_ =	shalt  }
0x73: {  	_ =	shalt  }
0x74: {  	_ =	shalt  }
0x75: {  	_ =	shalt  }
0x76: {  	_ =	shalt  }
0x77: {  	_ =	shalt  }
0x78: {  	_ =	shalt  }
0x79: {  	_ =	shalt  }
0x7a: {  	_ =	shalt  }
0x7b: {  	_ =	shalt  }
0x7c: {  	_ =	shalt  }
0x7d: {  	_ =	shalt  }
0x7e: {  	_ =	shalt  }
0x7f: {  	_ =	shalt  }
0x80: {  	_ =	shalt  }
0x81: {  	_ =	shalt  }
0x82: {  	_ =	shalt  }
0x83: {  	_ =	shalt  }
0x84: {  	_ =	shalt  }
0x85: {  	_ =	shalt  }
0x86: {  	_ =	shalt  }
0x87: {  	_ =	shalt  }
.Lfunc_end0:
.L_simem_size_0:
called_computation.1_lowered:
.L_overlay_start_0:
0x88: {  	s2 =	sld [smem:$0x3FD9]  }
0x89: {  	s3 =	sld [smem:$0x3FFE];
	_ =	sdelay $0x1  }
0x8a: {  	s1 =	srdreg.scid  }
0x8b: {  	s0 =	sand.u32 $0x1, s1  }
0x8c: {  	s16 =	sshll.u32 s0, $0xA;
	s2 =	sadd.s32 s3, s2  }
0x8d: {  	s2 =	sadd.s32 s2, s16  }
0x8e: {  	[smem:$0x3F93] =	sst s2  }
0x8f: {  	_ = 	snop  }
0x90: {  	(tm) =	ssettm $0x1  }
0x91: {  	s17 =	sld [smem:$0x3FFB];
	_ =	sdelay $0x3  }
0x92: {  	_ =	strace s17  }
0x93: {  	s2 =	sld [smem:$0x3FFC];
	_ =	sdelay $0x3  }
0x94: {  	_ =	strace s2  }
0x95: {  	s2 =	sld [smem:$0x3FFD];
	_ =	sdelay $0x3  }
0x96: {  	_ =	strace s2  }
0x97: {  	_ =	strace $0x8FFFFFFF  }
0x98: {  	s18 =	sld [smem:$0x3FDB];
	_ =	sdelay $0x1  }
0x99: {  	s19 =	simm.s32 $_scs_section_size  }
0x9a: {  	s4 =	simm.s32 $_size__tile_overlayer_lowered;
	s5 =	simm.s32 $_tile_overlayer_lowered  }
0x9b: {  	s22 =	simm.s32 $0x1BFF;
	s21 =	sshll.u32 s5, $0x1;
	s2 =	sadd.s32 s19, s18  }
0x9c: {  	s6 =	simm.s32 $0x0;
	s20 =	sshll.u32 s4, $0x1;
	s4 =	sadd.s32 s21, s2  }
0x9d: {  	[timem:s6], [sflag:s22] =	dma.local [hbm:s4], s20  }
0x9e: {  	_ =	swait.ge [sflag:s22], s20  }
0x9f: {  	s3 =	ssub.s32 $0x0, s20;
	[sflag:s22] =	ssyncset.done $0x0  }
0xa0: {  	[sflag:s22] =	ssyncadd.s32 s3;
	_ =	sdelay $0x1  }
0xa1: {  	s23 =	simm.s32 $0x1B8B  }
0xa2: {  	_ =	swait.ge [sflag:s23], $0x1  }
0xa3: {  	[sflag:s23] =	ssyncset.done $0x0  }
0xa4: {  	s25 =	simm.s32 $0x1B8E;
	s24 =	sld [smem:$0x3FFE];
	[sflag:s23] =	ssyncadd.s32 $0xFFFFFFFF  }
0xa5: {  	s26 =	simm.s32 $execute0_lowered;
	[smem:$0x3FD2] =	sst s25  }
0xa6: {  	s4 =	sshll.u32 s26, $0x1;
	_ =	strace $0x80000049;
	[dreg:$0x1] =	wrdreg $0xFFFFFFFF  }
0xa7: {  	s28 =	simm.s32 $_size_execute0_lowered;
	s2 =	sadd.s32 s2, s4;
	[dreg:$0x0] =	wrdreg $0x0  }
0xa8: {  	s4 =	sshll.u32 s28, $0x1;
	[dreg:$0x2] =	wrdreg s2  }
0xa9: {  	[dreg:$0x3] =	wrdreg s4  }
0xaa: {  	[dreg:$0x4] =	wrdreg $0xC0  }
0xab: {  	_ =	task [dreg:s6], $0x5FFFF  }
0xac: {  	[dreg:$0x1] =	wrdreg $0xFFFFFFFF  }
0xad: {  	[dreg:$0x0] =	wrdreg $0x60  }
0xae: {  	[dreg:$0x2] =	wrdreg s24  }
0xaf: {  	[dreg:$0x3] =	wrdreg $0xED900  }
0xb0: {  	[dreg:$0x4] =	wrdreg $0x9  }
0xb1: {  	_ =	task.clear_ibuf [dreg:s6], $0x5FFFF;
	_ =	strace $0x90000049  }
0xb2: {  	s29 =	simm.s32 $0x9;
	_ =	strace $0x8000004B  }
0xb3: {  	_ =	swait.ge [sflag:s29], $0x1  }
0xb4: {  	[sflag:s29] =	ssyncadd.s32 $0xFFFFFFFF  }
0xb5: {  	_ =	strace $0x9000004B  }
0xb6: {  	_ =	sfence  }
0xb7: {  	s30 =	sld [smem:$0x0];
	_ =	sdelay $0x2  }
0xb8: {  	s31 =	sshll.u32 s1, $0xD;
	s1 =	sshrl.u32 s1, $0x2  }
0xb9: {  	s3 =	sand.u32 $0x4000, s31;
	s1 =	sadd.s32 s1, s30  }
0xba: {  	s0 =	sor.u32 s3, s0;
	s1 =	sshll.u32 s1, $0x11  }
0xbb: {  	s0 =	sor.u32 s1, s0  }
0xbc: {  	s0 =	sadd.s32 $0x8F2B, s0  }
0xbd: {  	[sflag:s0] =	ssyncadd.remote.s32 $0x1  }
0xbe: {  	_ =	sfence.sel $0xFFFF  }
0xbf: {  	[dreg:$0x0] =	wrdreg $0xFFFFFFFF;
	(pc) =	sbr.abs _section_cstart, $3  }
0xc0: {  	[dreg:$0x1] =	wrdreg $0xFFFFFFFF  }
0xc1: {  	_ =	task.clear_ibuf [dreg:s6], $0x2FFFF;
	_ =	strace $0x9FFFFFFF  }
0xc2: {  	(tm) =	ssettm $0x7FFFFFFF  }
0xc3: {  	_ =	shalt  }
tec
execute0_lowered:
.L_overlay_start_1:
0x0: {  	(tag) =	ssettag $0x1  }
0x1: {  	s6 =	rddreg [dreg:$0x0]  }
0x2: {  	s1 =	rddreg [dreg:$0x1]  }
0x3: {  	s2 =	srdreg.scid;
	s0 =	rddreg [dreg:$0x2];
	s3 =	simm.s32 $0x0  }
0x4: {  	s17 =	simm.s32 $0xD500;
	s18 =	simm.s32 $0x1;
	s7 =	sand.u32 $0x1, s2  }
0x5: {  	s19 =	simm.s32 $0xD00;
	s2 =	stileid.u32;
	s20 =	smul.u32 $0xC400, s7  }
0x6: {  	s21 =	simm.s32 $0xC80;
	[smem:$0x7FF] =	sst s3;
	s8 =	smul.u32 $0xC40, s2  }
0x7: {  	s4 =	sadd.s32 $0x1AB400, s6;
	s7 =	ssub.s32 $0x2, s7;
	s9 =	smul.u32 $0x31200, s2  }
0x8: {  	s5 =	sadd.s32 $0x88A00, s6;
	s10 =	smul.u32 $0x31000, s2;
	s31 =	sshrl.u32 s7, $0x1  }
0x9: {  	_ =	strace $0x8000004A;
	s8 =	sadd.s32 s8, s20;
	s11 =	ssub.s32 s7, s31  }
0xa: {  	s9 =	sshrl.u32 s9, $0x2;
	s10 =	sshrl.u32 s10, $0x2;
	s8 =	sshll.u32 s8, $0x1  }
0xb: {  	v0 =	vmov s20;
	s20 =	simm.s32 $0x80;
	s22 =	sadd.s32 s10, s1;
	s8 =	sadd.s32 s8, s6  }
0xc: {  	s6 =	smul.u32 $0x19000, s2;
	s7 =	sadd.s32 $0x11CE00, s8;
	s8 =	sadd.s32 s9, s1  }
0xd: {  	s22 =	sshrl.u32 s22, $0x3;
	s9 =	smax.u32 s11, $0x1;
	s10 =	sadd.s32 $0x1890, s8  }
0xe: {  	s11 =	sadd.s32 $0x3120, s8;
	s12 =	sadd.s32 $0x49B0, s8;
	s13 =	sadd.s32 $0x6240, s8  }
0xf: {  	v1 =	vimm.f32 $0.0e+00;
	s14 =	sadd.s32 $0x7AD0, s8;
	s15 =	sadd.s32 $0x9360, s8;
	s16 =	sadd.s32 $0xABF0, s8  }
.LBB2_1:
0x10: {  	s23 =	simm.s32 $0x40;
	s24 =	simm.s32 $0x0  }
.LBB2_2:
0x11: {  	p0 =	sne.s32 s23, $0x6200;
	[tilespmem:s24+$0xD500] =	vst v1;
	s24 =	smov.u32 s23;
	s23 =	sadd.s32 $0x40, s23  }
.Ltmp0:
0x12: {  	(pc) =	sbr.rel @p0 .LBB2_2-.Ltmp0, $2  }
0x13: {  	_ =	sdelay $0x2  }
0x14: {  	s24 =	sshra.s32 s24, $0x2  }
0x15: {  	[tilespmem:s24+$0xD500] =	vst v1  }
0x16: {  	[spmem:s8] =	stream.linear.scatter [tilespmem:s17], [sflag:$0x1], $0x1890, $0x38;
	[tilespmem:$0x1B210] =	vst v63  }
0x17: {  	_ =	swait.ge [sflag:s18], $0x1890  }
0x18: {  	[sflag:s18] =	ssyncset.done $0x0  }
0x19: {  	[sflag:s18] =	ssyncadd.s32 $0xFFFFE770  }
0x1a: {  	[spmem:s10] =	stream.linear.scatter [tilespmem:s17], [sflag:$0x1], $0x1890, $0x38;
	[tilespmem:$0x1B210] =	vst v63  }
0x1b: {  	_ =	swait.ge [sflag:s18], $0x1890  }
0x1c: {  	[sflag:s18] =	ssyncset.done $0x0  }
0x1d: {  	[sflag:s18] =	ssyncadd.s32 $0xFFFFE770  }
0x1e: {  	[spmem:s11] =	stream.linear.scatter [tilespmem:s17], [sflag:$0x1], $0x1890, $0x38;
	[tilespmem:$0x1B210] =	vst v63  }
0x1f: {  	_ =	swait.ge [sflag:s18], $0x1890  }
0x20: {  	[sflag:s18] =	ssyncset.done $0x0  }
0x21: {  	[sflag:s18] =	ssyncadd.s32 $0xFFFFE770  }
0x22: {  	[spmem:s12] =	stream.linear.scatter [tilespmem:s17], [sflag:$0x1], $0x1890, $0x38;
	[tilespmem:$0x1B210] =	vst v63  }
0x23: {  	_ =	swait.ge [sflag:s18], $0x1890  }
0x24: {  	[sflag:s18] =	ssyncset.done $0x0  }
0x25: {  	[sflag:s18] =	ssyncadd.s32 $0xFFFFE770  }
0x26: {  	[spmem:s13] =	stream.linear.scatter [tilespmem:s17], [sflag:$0x1], $0x1890, $0x38;
	[tilespmem:$0x1B210] =	vst v63  }
0x27: {  	_ =	swait.ge [sflag:s18], $0x1890  }
0x28: {  	[sflag:s18] =	ssyncset.done $0x0  }
0x29: {  	[sflag:s18] =	ssyncadd.s32 $0xFFFFE770  }
0x2a: {  	[spmem:s14] =	stream.linear.scatter [tilespmem:s17], [sflag:$0x1], $0x1890, $0x38;
	[tilespmem:$0x1B210] =	vst v63  }
0x2b: {  	_ =	swait.ge [sflag:s18], $0x1890  }
0x2c: {  	[sflag:s18] =	ssyncset.done $0x0  }
0x2d: {  	[sflag:s18] =	ssyncadd.s32 $0xFFFFE770  }
0x2e: {  	[spmem:s15] =	stream.linear.scatter [tilespmem:s17], [sflag:$0x1], $0x1890, $0x38;
	[tilespmem:$0x1B210] =	vst v63  }
0x2f: {  	_ =	swait.ge [sflag:s18], $0x1890  }
0x30: {  	[sflag:s18] =	ssyncset.done $0x0  }
0x31: {  	[sflag:s18] =	ssyncadd.s32 $0xFFFFE770  }
0x32: {  	[spmem:s16] =	stream.linear.scatter [tilespmem:s17], [sflag:$0x1], $0x1890, $0x38;
	[tilespmem:$0x1B210] =	vst v63  }
0x33: {  	_ =	swait.ge [sflag:s18], $0x1890  }
0x34: {  	[sflag:s18] =	ssyncset.done $0x0  }
0x35: {  	[sflag:s18] =	ssyncadd.s32 $0xFFFFE770  }
0x36: {  	s23 =	simm.s32 $0x0;
	s24 =	simm.s32 $0x0;
	[bflag:$0x0] =	sbarrier.arrive $0xFFFF  }
.LBB2_4:
0x37: {  	s25 =	smul.u32 $0xC80, s24;
	_ =	sdelay $0x1  }
0x38: {  	s25 =	sadd.s32 s6, s25  }
0x39: {  	s26 =	sshll.u32 s25, $0x1  }
0x3a: {  	s26 =	sadd.s32 s4, s26  }
0x3b: {  	[tilespmem:s19], [sflag:$0x1] =	stream.linear.gather [hbm4b:s26+s23], $0xC800, $0x38;
	[tilespmem:$0x1B210] =	vst v63  }
0x3c: {  	_ =	swait.ge [sflag:s18], $0xC800  }
0x3d: {  	s25 =	sshrl.u32 s25, $0x3;
	[sflag:s18] =	ssyncset.done $0x0  }
0x3e: {  	s25 =	sadd.s32 s5, s25;
	[sflag:s18] =	ssyncadd.s32 $0xFFFF3800  }
0x3f: {  	[tilespmem:s23], [sflag:$0x1] =	stream.linear.gather [hbm4b:s25+s23], $0xC80, $0x38;
	[tilespmem:$0x1B210] =	vst v63  }
0x40: {  	_ =	swait.ge [sflag:s18], $0xC80  }
0x41: {  	[sflag:s18] =	ssyncset.done $0x0  }
0x42: {  	s25 =	simm.s32 $0x40;
	[sflag:s18] =	ssyncadd.s32 $0xFFFFF380  }
0x43: {  	v2 =	vld [tilespmem:s25+$0xFFFFFFC0];
	_ =	sdelay $0x4  }
0x44: {  	v3 =	vsub.s32 v2, v0;
	v2 =	vand.u32 $0x7F, v2  }
0x45: {  	vm0 =	vlt.u32 v3, $0xC400;
	v2 =	vor.u32 $0xC400, v2  }
0x46: {  	v2 =	vsel vm0, v3, v2  }
0x47: {  	[tilespmem:$0xC80] =	vst v2  }
0x48: {  	v2 =	vld [tilespmem:s25+$0xFFFFFFD0];
	_ =	sdelay $0x4  }
0x49: {  	v3 =	vsub.s32 v2, v0;
	v2 =	vand.u32 $0x7F, v2  }
0x4a: {  	vm9 =	vlt.u32 v3, $0xC400;
	v2 =	vor.u32 $0xC400, v2  }
0x4b: {  	v2 =	vsel vm9, v3, v2  }
0x4c: {  	[tilespmem:$0xC90] =	vst v2  }
0x4d: {  	v2 =	vld [tilespmem:s25+$0xFFFFFFE0];
	_ =	sdelay $0x4  }
0x4e: {  	v3 =	vsub.s32 v2, v0;
	v2 =	vand.u32 $0x7F, v2  }
0x4f: {  	vm10 =	vlt.u32 v3, $0xC400;
	v2 =	vor.u32 $0xC400, v2  }
0x50: {  	v2 =	vsel vm10, v3, v2  }
0x51: {  	[tilespmem:$0xCA0] =	vst v2  }
0x52: {  	v2 =	vld [tilespmem:s25+$0xFFFFFFF0];
	_ =	sdelay $0x4  }
0x53: {  	v3 =	vsub.s32 v2, v0;
	v2 =	vand.u32 $0x7F, v2  }
0x54: {  	vm11 =	vlt.u32 v3, $0xC400;
	v2 =	vor.u32 $0xC400, v2  }
0x55: {  	v2 =	vsel vm11, v3, v2  }
0x56: {  	[tilespmem:$0xCB0] =	vst v2  }
0x57: {  	v2 =	vld [tilespmem:s25+$0x0];
	_ =	sdelay $0x4  }
0x58: {  	v3 =	vsub.s32 v2, v0;
	v2 =	vand.u32 $0x7F, v2  }
0x59: {  	vm12 =	vlt.u32 v3, $0xC400;
	v2 =	vor.u32 $0xC400, v2  }
0x5a: {  	v2 =	vsel vm12, v3, v2  }
0x5b: {  	[tilespmem:$0xCC0] =	vst v2  }
0x5c: {  	v2 =	vld [tilespmem:s25+$0x10];
	_ =	sdelay $0x4  }
0x5d: {  	v3 =	vsub.s32 v2, v0;
	v2 =	vand.u32 $0x7F, v2  }
0x5e: {  	vm13 =	vlt.u32 v3, $0xC400;
	v2 =	vor.u32 $0xC400, v2  }
0x5f: {  	v2 =	vsel vm13, v3, v2  }
0x60: {  	[tilespmem:$0xCD0] =	vst v2  }
0x61: {  	v2 =	vld [tilespmem:s25+$0x20];
	_ =	sdelay $0x4  }
0x62: {  	v3 =	vsub.s32 v2, v0;
	v2 =	vand.u32 $0x7F, v2  }
0x63: {  	vm14 =	vlt.u32 v3, $0xC400;
	v2 =	vor.u32 $0xC400, v2  }
0x64: {  	v2 =	vsel vm14, v3, v2  }
0x65: {  	[tilespmem:$0xCE0] =	vst v2  }
0x66: {  	v2 =	vld [tilespmem:s25+$0x30];
	_ =	sdelay $0x4  }
0x67: {  	v3 =	vsub.s32 v2, v0;
	v2 =	vand.u32 $0x7F, v2  }
0x68: {  	vm15 =	vlt.u32 v3, $0xC400;
	v2 =	vor.u32 $0xC400, v2  }
0x69: {  	v2 =	vsel vm15, v3, v2  }
0x6a: {  	s31 =	simm.s32 $0xD00;
	[tilespmem:$0xCF0] =	vst v2  }
0x6b: {  	[spmem:s1] =	stream.indirect.scatter.add.f32 [tilespmem:s31], [sflag:$0x1], $0x10, s21, s20, $0xb8;
	[tilespmem:$0x1B210] =	vst v63  }
0x6c: {  	_ =	swait.ge [sflag:s18], $0x800  }
0x6d: {  	s26 =	simm.s32 $0x2000;
	[sflag:s18] =	ssyncset.done $0x0  }
.LBB2_5:
0x6e: {  	p0 =	sne.s32 s26, $0x30000;
	[sflag:s18] =	ssyncadd.s32 $0xFFFFF800;
	s25 =	sadd.s32 $0x80, s25  }
0x6f: {  	s28 =	smov.u32 s26;
	s26 =	sadd.s32 $0x2000, s26;
	v2 =	vld [tilespmem:s25+$0xFFFFFFC0];
	_ =	sdelay $0x4  }
0x70: {  	v3 =	vsub.s32 v2, v0;
	v2 =	vand.u32 $0x7F, v2  }
0x71: {  	vm0 =	vlt.u32 v3, $0xC400;
	v2 =	vor.u32 $0xC400, v2  }
0x72: {  	v2 =	vsel vm0, v3, v2  }
0x73: {  	[tilespmem:$0xC80] =	vst v2  }
0x74: {  	v2 =	vld [tilespmem:s25+$0xFFFFFFD0];
	_ =	sdelay $0x4  }
0x75: {  	v3 =	vsub.s32 v2, v0;
	v2 =	vand.u32 $0x7F, v2  }
0x76: {  	vm0 =	vlt.u32 v3, $0xC400;
	v2 =	vor.u32 $0xC400, v2  }
0x77: {  	v2 =	vsel vm0, v3, v2  }
0x78: {  	[tilespmem:$0xC90] =	vst v2  }
0x79: {  	v2 =	vld [tilespmem:s25+$0xFFFFFFE0];
	_ =	sdelay $0x4  }
0x7a: {  	v3 =	vsub.s32 v2, v0;
	v2 =	vand.u32 $0x7F, v2  }
0x7b: {  	vm0 =	vlt.u32 v3, $0xC400;
	v2 =	vor.u32 $0xC400, v2  }
0x7c: {  	v2 =	vsel vm0, v3, v2  }
0x7d: {  	[tilespmem:$0xCA0] =	vst v2  }
0x7e: {  	v2 =	vld [tilespmem:s25+$0xFFFFFFF0];
	_ =	sdelay $0x4  }
0x7f: {  	v3 =	vsub.s32 v2, v0;
	v2 =	vand.u32 $0x7F, v2  }
0x80: {  	vm0 =	vlt.u32 v3, $0xC400;
	v2 =	vor.u32 $0xC400, v2  }
0x81: {  	v2 =	vsel vm0, v3, v2  }
0x82: {  	[tilespmem:$0xCB0] =	vst v2  }
0x83: {  	v2 =	vld [tilespmem:s25+$0x0];
	_ =	sdelay $0x4  }
0x84: {  	v3 =	vsub.s32 v2, v0;
	v2 =	vand.u32 $0x7F, v2  }
0x85: {  	vm0 =	vlt.u32 v3, $0xC400;
	v2 =	vor.u32 $0xC400, v2  }
0x86: {  	v2 =	vsel vm0, v3, v2  }
0x87: {  	[tilespmem:$0xCC0] =	vst v2  }
0x88: {  	v2 =	vld [tilespmem:s25+$0x10];
	_ =	sdelay $0x4  }
0x89: {  	v3 =	vsub.s32 v2, v0;
	v2 =	vand.u32 $0x7F, v2  }
0x8a: {  	vm0 =	vlt.u32 v3, $0xC400;
	v2 =	vor.u32 $0xC400, v2  }
0x8b: {  	v2 =	vsel vm0, v3, v2  }
0x8c: {  	[tilespmem:$0xCD0] =	vst v2  }
0x8d: {  	v2 =	vld [tilespmem:s25+$0x20];
	_ =	sdelay $0x4  }
0x8e: {  	v3 =	vsub.s32 v2, v0;
	v2 =	vand.u32 $0x7F, v2  }
0x8f: {  	vm0 =	vlt.u32 v3, $0xC400;
	v2 =	vor.u32 $0xC400, v2  }
0x90: {  	v2 =	vsel vm0, v3, v2  }
0x91: {  	[tilespmem:$0xCE0] =	vst v2  }
0x92: {  	v2 =	vld [tilespmem:s25+$0x30];
	_ =	sdelay $0x4  }
0x93: {  	v3 =	vsub.s32 v2, v0;
	v2 =	vand.u32 $0x7F, v2  }
0x94: {  	vm0 =	vlt.u32 v3, $0xC400;
	v2 =	vor.u32 $0xC400, v2  }
.Ltmp1:
0x95: {  	s28 =	sshra.s32 s28, $0x2;
	v2 =	vsel vm0, v3, v2;
	(pc) =	sbr.rel @p0 .LBB2_5-.Ltmp1, $4  }
0x96: {  	s28 =	sadd.s32 $0xD00, s28;
	[tilespmem:$0xCF0] =	vst v2  }
0x97: {  	[spmem:s1] =	stream.indirect.scatter.add.f32 [tilespmem:s28], [sflag:$0x1], $0x10, s21, s20, $0xb8;
	[tilespmem:$0x1B210] =	vst v63  }
0x98: {  	_ =	swait.ge [sflag:s18], $0x800  }
0x99: {  	[sflag:s18] =	ssyncset.done $0x0  }
0x9a: {  	s24 =	sadd.s32 $0x1, s24  }
0x9b: {  	p0 =	sne.s32 s24, $0x20  }
.Ltmp2:
0x9c: {  	_ = 	snop;
	(pc) =	sbr.rel @p0 .LBB2_4-.Ltmp2, $2  }
0x9d: {  	_ =	sdelay $0x2  }
0x9e: {  	[sflag:s18] =	ssyncadd.s32 $0xFFFFF800  }
0x9f: {  	s3 =	sadd.s32 $0x1, s3  }
0xa0: {  	s23 =	sshll.u32 s2, $0x6;
	p0 =	sne.s32 s3, s9  }
.Ltmp3:
0xa1: {  	[bflag:$0x0] =	sbarrier.arrive $0xFFFF;
	s23 =	sor.u32 $0x1C01, s23;
	(pc) =	sbr.rel @p0 .LBB2_1-.Ltmp3, $4  }
0xa2: {  	[hbm:s7], [sflag:s23] =	dma.local [spmem:s22], $0x1880  }
0xa3: {  	_ =	swait.ge [sflag:s18], $0x1880  }
0xa4: {  	[sflag:s18] =	ssyncset.done $0x0  }
0xa5: {  	[sflag:s18] =	ssyncadd.s32 $0xFFFFE780  }
0xa6: {  	_ =	sfence.sel $0x180000  }
0xa7: {  	[bflag:$0x0] =	sbarrier.arrive $0xFFFF  }
0xa8: {  	p0 =	sne.s32 s2, $0x0;
	_ =	strace $0x9000004A  }
0xa9: {  	s0 =	sadd.s32 @!p0 $0x100000, s0;
	[bflag:$0x2] =	sbarrier.arrive $0xFFFF  }
0xaa: {  	[sflag:s0] =	ssyncadd.tile.s32 @!p0 $0x1;
	_ =	shalt  }
.Lfunc_end2:
_tile_overlayer_lowered:
.L_overlay_start_2:
0xab: {  	(tag) =	ssettag $0x2  }
0xac: {  	s0 =	rddreg [dreg:$0x0];
	s2 =	stileid.u32  }
0xad: {  	s1 =	rddreg [dreg:$0x1];
	p0 =	sne.s32 s2, $0x0  }
0xae: {  	s3 =	rddreg [dreg:$0x2];
	[bflag:$0x3] =	sbarrier.arrive $0xFFFF;
	s2 =	simm.s32 @!p0 $0x1C01  }
0xaf: {  	[timem:s3], [sflag:s2] =	dma.local @!p0 [hbm:s0], s1  }
0xb0: {  	s0 =	simm.s32 @!p0 $0x1  }
0xb1: {  	_ =	swait.ge @!p0 [sflag:s0], s1  }
0xb2: {  	s1 =	ssub.s32 @!p0 $0x0, s1;
	[sflag:s0] =	ssyncset.done @!p0 $0x0  }
0xb3: {  	[sflag:s0] =	ssyncadd.s32 @!p0 s1  }
0xb4: {  	[bflag:$0x3] =	sbarrier.arrive $0xFFFF  }
0xb5: {  	_ =	shalt  }

</sc_bundles>
